<compile_context>
chip_gen: v7x
topology: tpu7x:2x2x1
jax: 0.10.2.dev20260603
libtpu: 0.0.44.dev20260713+nightly
codegen_flags: <defaults>
</compile_context>

<pallas_src>
import functools

import jax
import jax.numpy as jnp
from jax import lax
from jax.experimental import pallas as pl
from jax.experimental.pallas import tpu as pltpu
from jax.experimental.pallas import tpu_sc as plsc

N = 10000
E = 320000
D_IN = 128
D_OUT = 128
A_DIM = 256

NC = 2
NS = 16
NW = NC * NS
NP = 10240
ZR = NP // NS
CH = 128
EPW = 10240
EPAD = NW * EPW
NCHA = EPW // CH
NCHC = (EPAD // NS) // CH

_SC_MESH = plsc.VectorSubcoreMesh(core_axis_name="c", subcore_axis_name="s")


@functools.partial(
    pl.kernel,
    out_type=[
        jax.ShapeDtypeStruct((NC, NP, D_IN), jnp.float32),
        jax.ShapeDtypeStruct((NC, NP), jnp.float32),
    ],
    mesh=_SC_MESH,
    scratch_types=[
        (pltpu.VMEM((CH,), jnp.int32),) * 2,
        (pltpu.VMEM((CH,), jnp.int32),) * 2,
        (pltpu.VMEM((CH, D_IN), jnp.float32),) * 2,
        pltpu.VMEM((CH,), jnp.float32),
        pltpu.VMEM_SHARED((NP, D_IN), jnp.float32),
        pltpu.VMEM_SHARED((NP,), jnp.float32),
        (pltpu.SemaphoreType.DMA,) * 2,
        (pltpu.SemaphoreType.DMA,) * 2,
    ],
)
def _sc_gin_agg(x_hbm, src_hbm, dst_hbm, z_hbm, z1_hbm, ones_hbm,
                agg_hbm, deg_hbm,
                idx_s, idx_d, rows, ones_v, acc, dacc, isem, gsem):
    c = lax.axis_index("c")
    s = lax.axis_index("s")
    w = c * NS + s
    base = w * EPW

    pltpu.sync_copy(z_hbm, acc.at[pl.ds(s * ZR, ZR)])
    pltpu.sync_copy(z1_hbm, dacc.at[pl.ds(s * ZR, ZR)])
    pltpu.sync_copy(ones_hbm, ones_v)
    plsc.subcore_barrier()

    def load_idx(i, b):
        off = base + i * CH
        pltpu.async_copy(src_hbm.at[pl.ds(off, CH)], idx_s[b], isem[b])
        pltpu.async_copy(dst_hbm.at[pl.ds(off, CH)], idx_d[b], isem[b])

    def wait_idx(i, b):
        off = base + i * CH
        pltpu.make_async_copy(src_hbm.at[pl.ds(off, CH)], idx_s[b],
                              isem[b]).wait()
        pltpu.make_async_copy(dst_hbm.at[pl.ds(off, CH)], idx_d[b],
                              isem[b]).wait()

    load_idx(0, 0)
    load_idx(1, 1)
    wait_idx(0, 0)
    pltpu.async_copy(x_hbm.at[idx_s[0]], rows[0], gsem[0])

    def step(i, b):
        nxt = 1 - b

        @pl.when(i + 1 < NCHA)
        def _():
            wait_idx(i + 1, nxt)
            pltpu.async_copy(x_hbm.at[idx_s[nxt]], rows[nxt], gsem[nxt])

        pltpu.make_async_copy(x_hbm.at[idx_s[b]], rows[b], gsem[b]).wait()
        pltpu.sync_copy(rows[b], acc.at[idx_d[b]], add=True)
        pltpu.sync_copy(ones_v, dacc.at[idx_d[b]], add=True)

        @pl.when(i + 2 < NCHA)
        def _():
            load_idx(i + 2, b)

    def outer(g, carry):
        step(2 * g, 0)
        step(2 * g + 1, 1)
        return carry

    lax.fori_loop(0, NCHA // 2, outer, 0)

    plsc.subcore_barrier()
    pltpu.sync_copy(acc.at[pl.ds(s * ZR, ZR)],
                    agg_hbm.at[c, pl.ds(s * ZR, ZR)])
    pltpu.sync_copy(dacc.at[pl.ds(s * ZR, ZR)],
                    deg_hbm.at[c, pl.ds(s * ZR, ZR)])


@functools.partial(
    pl.kernel,
    out_type=jax.ShapeDtypeStruct((NC, NP, D_IN), jnp.float32),
    mesh=_SC_MESH,
    scratch_types=[
        (pltpu.VMEM((CH,), jnp.int32),) * 2,
        (pltpu.VMEM((CH,), jnp.int32),) * 2,
        (pltpu.VMEM((CH, D_IN), jnp.float32),) * 2,
        pltpu.VMEM_SHARED((NP, D_IN), jnp.float32),
        (pltpu.SemaphoreType.DMA,) * 2,
        (pltpu.SemaphoreType.DMA,) * 2,
    ],
)
def _sc_adj_s(lo_hbm, hi_hbm, src_hbm, dst_hbm, z_hbm, out_hbm,
              idx_s, idx_d, rows, acc, isem, gsem):
    c = lax.axis_index("c")
    s = lax.axis_index("s")
    eps = EPAD // NS
    base = s * eps

    pltpu.sync_copy(z_hbm, acc.at[pl.ds(s * ZR, ZR)])
    plsc.subcore_barrier()

    def load_idx(i, b):
        off = base + i * CH
        pltpu.async_copy(src_hbm.at[pl.ds(off, CH)], idx_s[b], isem[b])
        pltpu.async_copy(dst_hbm.at[pl.ds(off, CH)], idx_d[b], isem[b])

    def wait_idx(i, b):
        off = base + i * CH
        pltpu.make_async_copy(src_hbm.at[pl.ds(off, CH)], idx_s[b],
                              isem[b]).wait()
        pltpu.make_async_copy(dst_hbm.at[pl.ds(off, CH)], idx_d[b],
                              isem[b]).wait()

    def start_gather(b):
        @pl.when(c == 0)
        def _():
            pltpu.async_copy(lo_hbm.at[idx_s[b]], rows[b], gsem[b])

        @pl.when(c == 1)
        def _():
            pltpu.async_copy(hi_hbm.at[idx_s[b]], rows[b], gsem[b])

    load_idx(0, 0)
    load_idx(1, 1)
    wait_idx(0, 0)
    start_gather(0)

    def step(i, b):
        nxt = 1 - b

        @pl.when(i + 1 < NCHC)
        def _():
            wait_idx(i + 1, nxt)
            start_gather(nxt)

        pltpu.make_async_copy(lo_hbm.at[idx_s[b]], rows[b], gsem[b]).wait()
        pltpu.sync_copy(rows[b], acc.at[idx_d[b]], add=True)

        @pl.when(i + 2 < NCHC)
        def _():
            load_idx(i + 2, b)

    def outer(g, carry):
        step(2 * g, 0)
        step(2 * g + 1, 1)
        return carry

    lax.fori_loop(0, NCHC // 2, outer, 0)

    plsc.subcore_barrier()
    pltpu.sync_copy(acc.at[pl.ds(s * ZR, ZR)],
                    out_hbm.at[c, pl.ds(s * ZR, ZR)])


_RB = 2000


def _tc_mlp_body(x_ref, a0_ref, a1_ref, d0_ref, d1_ref,
                 w1f_ref, b1f_ref, w2f_ref, b2f_ref,
                 w1p_ref, b1p_ref, w2p_ref, b2p_ref,
                 feat_ref, lo_ref, hi_ref):
    agg = a0_ref[0] + a1_ref[0]
    deg = d0_ref[...] + d1_ref[...]
    h = x_ref[...] + agg / jnp.maximum(deg, 1.0)

    hf = jnp.maximum(
        jax.lax.dot_general(h, w1f_ref[...], (((1,), (0,)), ((), ())),
                            preferred_element_type=jnp.float32) + b1f_ref[...],
        0.0)
    feat_ref[...] = jax.lax.dot_general(
        hf, w2f_ref[...], (((1,), (0,)), ((), ())),
        preferred_element_type=jnp.float32) + b2f_ref[...]

    hp = jnp.maximum(
        jax.lax.dot_general(h, w1p_ref[...], (((1,), (0,)), ((), ())),
                            preferred_element_type=jnp.float32) + b1p_ref[...],
        0.0)
    logits = jax.lax.dot_general(
        hp, w2p_ref[...], (((1,), (0,)), ((), ())),
        preferred_element_type=jnp.float32) + b2p_ref[...]

    m = jnp.max(logits, axis=-1, keepdims=True)
    ex = jnp.exp(logits - m)
    sm = ex / jnp.sum(ex, axis=-1, keepdims=True)
    lo_ref[...] = sm[:, :D_IN]
    hi_ref[...] = sm[:, D_IN:]


def _tc_mlp(x, agg_part, d0, d1, W1f, b1f, W2f, b2f, W1p, b1p, W2p, b2p):
    nb = N // _RB
    full = lambda r, cdim: pl.BlockSpec((r, cdim), lambda i: (0, 0))
    return pl.pallas_call(
        _tc_mlp_body,
        grid=(nb,),
        in_specs=[
            pl.BlockSpec((_RB, D_IN), lambda i: (i, 0)),
            pl.BlockSpec((1, _RB, D_IN), lambda i: (0, i, 0)),
            pl.BlockSpec((1, _RB, D_IN), lambda i: (1, i, 0)),
            pl.BlockSpec((_RB, 1), lambda i: (i, 0)),
            pl.BlockSpec((_RB, 1), lambda i: (i, 0)),
            full(D_IN, D_OUT), full(1, D_OUT), full(D_OUT, D_OUT), full(1, D_OUT),
            full(D_IN, A_DIM), full(1, A_DIM), full(A_DIM, A_DIM), full(1, A_DIM),
        ],
        out_specs=[
            pl.BlockSpec((_RB, D_OUT), lambda i: (i, 0)),
            pl.BlockSpec((_RB, D_IN), lambda i: (i, 0)),
            pl.BlockSpec((_RB, D_IN), lambda i: (i, 0)),
        ],
        out_shape=[
            jax.ShapeDtypeStruct((N, D_OUT), jnp.float32),
            jax.ShapeDtypeStruct((N, D_IN), jnp.float32),
            jax.ShapeDtypeStruct((N, D_IN), jnp.float32),
        ],
    )(x, agg_part, agg_part, d0, d1,
      W1f, b1f, W2f, b2f, W1p, b1p, W2p, b2p)


def _tc_pool_body(lo_ref, hi_ref, feat_ref, alo_ref, ahi_ref,
                  h_ref, adj_ref):
    i = pl.program_id(0)

    @pl.when(i == 0)
    def _():
        h_ref[...] = jnp.zeros_like(h_ref)
        adj_ref[...] = jnp.zeros_like(adj_ref)

    s_cat = jnp.concatenate([lo_ref[...], hi_ref[...]], axis=1)
    ct = (((0,), (0,)), ((), ()))
    h_ref[...] += jax.lax.dot_general(
        s_cat, feat_ref[...], ct, preferred_element_type=jnp.float32)
    adj_ref[:, :D_IN] += jax.lax.dot_general(
        s_cat, alo_ref[0], ct, preferred_element_type=jnp.float32)
    adj_ref[:, D_IN:] += jax.lax.dot_general(
        s_cat, ahi_ref[0], ct, preferred_element_type=jnp.float32)


def _tc_pool(s_lo, s_hi, feat, adj_part):
    nb = N // _RB
    return pl.pallas_call(
        _tc_pool_body,
        grid=(nb,),
        in_specs=[
            pl.BlockSpec((_RB, D_IN), lambda i: (i, 0)),
            pl.BlockSpec((_RB, D_IN), lambda i: (i, 0)),
            pl.BlockSpec((_RB, D_OUT), lambda i: (i, 0)),
            pl.BlockSpec((1, _RB, D_IN), lambda i: (0, i, 0)),
            pl.BlockSpec((1, _RB, D_IN), lambda i: (1, i, 0)),
        ],
        out_specs=[
            pl.BlockSpec((A_DIM, D_OUT), lambda i: (0, 0)),
            pl.BlockSpec((A_DIM, A_DIM), lambda i: (0, 0)),
        ],
        out_shape=[
            jax.ShapeDtypeStruct((A_DIM, D_OUT), jnp.float32),
            jax.ShapeDtypeStruct((A_DIM, A_DIM), jnp.float32),
        ],
    )(s_lo, s_hi, feat, adj_part, adj_part)


def kernel(x, edge_index, W1f, b1f, W2f, b2f, W1p, b1p, W2p, b2p):
    pad_iota = jnp.arange(EPAD - E, dtype=jnp.int32)
    src = jnp.concatenate([edge_index[0], pad_iota % N])
    dst = jnp.concatenate([edge_index[1], N + (pad_iota % (NP - N))])
    z = jnp.zeros((ZR, D_IN), jnp.float32)
    z1 = jnp.zeros((ZR,), jnp.float32)
    ones = jnp.ones((CH,), jnp.float32)

    agg_part, deg_part = _sc_gin_agg(x, src, dst, z, z1, ones)
    d0 = deg_part[0].reshape(NP, 1)
    d1 = deg_part[1].reshape(NP, 1)

    feat, s_lo, s_hi = _tc_mlp(
        x, agg_part, d0, d1,
        W1f, b1f.reshape(1, D_OUT), W2f, b2f.reshape(1, D_OUT),
        W1p, b1p.reshape(1, A_DIM), W2p, b2p.reshape(1, A_DIM))

    adj_part = _sc_adj_s(s_lo, s_hi, src, dst, z)

    h_out, adj_new = _tc_pool(s_lo, s_hi, feat, adj_part)
    return (adj_new, h_out)

# --- scband reference (transcript-rebuilt; emitter-appended) ---
"""Pipeline reference for scband-diff-pool-layer-40175124087316 (READ-ONLY COPY).

The authoritative reference and input builder live on the scoring server;
editing this copy changes nothing except your own understanding.
"""

import jax, jax.numpy as jnp
import numpy as np

N = 10000
E = 320000
D_IN = 128
D_OUT = 128
A_DIM = 256


def _gin_layer(x, src, dst, W1, b1, W2, b2, n_nodes):
    # GIN-style conv with mean aggregator: h = MLP(x + mean_{j in N(i)} x_j)
    deg = jnp.zeros((n_nodes,), x.dtype).at[dst].add(1.0)
    agg = jnp.zeros((n_nodes, x.shape[1]), x.dtype).at[dst].add(x[src])
    agg = agg / jnp.maximum(deg, 1.0)[:, None]
    h = x + agg
    h = jax.nn.relu(h @ W1 + b1)
    return h @ W2 + b2


def setup_inputs(seed: int = 0) -> dict:
    key = jax.random.key(seed)
    ks = jax.random.split(key, 12)
    x = jax.random.normal(ks[0], (N, D_IN), dtype=jnp.float32)
    edge_index = jax.random.randint(ks[1], (2, E), 0, N, dtype=jnp.int32)
    s = 0.05
    W1f = jax.random.normal(ks[2], (D_IN, D_OUT), dtype=jnp.float32) * s
    b1f = jnp.zeros((D_OUT,), dtype=jnp.float32)
    W2f = jax.random.normal(ks[3], (D_OUT, D_OUT), dtype=jnp.float32) * s
    b2f = jnp.zeros((D_OUT,), dtype=jnp.float32)
    W1p = jax.random.normal(ks[4], (D_IN, A_DIM), dtype=jnp.float32) * s
    b1p = jnp.zeros((A_DIM,), dtype=jnp.float32)
    W2p = jax.random.normal(ks[5], (A_DIM, A_DIM), dtype=jnp.float32) * s
    b2p = jnp.zeros((A_DIM,), dtype=jnp.float32)
    return {"x": x, "edge_index": edge_index,
            "W1f": W1f, "b1f": b1f, "W2f": W2f, "b2f": b2f,
            "W1p": W1p, "b1p": b1p, "W2p": W2p, "b2p": b2p}


def reference(x, edge_index, W1f, b1f, W2f, b2f, W1p, b1p, W2p, b2p):
    src = edge_index[0]
    dst = edge_index[1]
    # feat_gc and pool_gc (GIN layers)
    feat = _gin_layer(x, src, dst, W1f, b1f, W2f, b2f, N)
    assign_logits = _gin_layer(x, src, dst, W1p, b1p, W2p, b2p, N)
    # batch_size = 1 -> block-diag mask is all-ones -> masked_softmax == softmax
    s_l = jax.nn.softmax(assign_logits, axis=-1)
    # pooled features: h = s^T @ feat
    h = s_l.T @ feat
    # adj_new = s^T @ (A @ s) with sparse A applied via scatter-add over edges
    adj_s = jnp.zeros((N, A_DIM), dtype=s_l.dtype).at[dst].add(s_l[src])
    adj_new = s_l.T @ adj_s
    return (adj_new, h)

if __name__ == "__main__":
    import jax
    _d = setup_inputs()
    print(jax.jit(kernel)(*tuple(_d.values())))

</pallas_src>

<mosaic_0001>
#map = affine_map<(d0, d1) -> (0, 0)>
#map1 = affine_map<(d0, d1) -> (0)>
#map2 = affine_map<(d0, d1) -> (0, 0, 0)>
module attributes {stable_mosaic.version = 14 : i64} {
  func.func @_sc_adj_s(%arg0: i32, %arg1: i32, %arg2: memref<10000x128xf32, #tpu.memory_space<hbm>>, %arg3: memref<10000x128xf32, #tpu.memory_space<hbm>>, %arg4: memref<327680xi32, #tpu.memory_space<hbm>>, %arg5: memref<327680xi32, #tpu.memory_space<hbm>>, %arg6: memref<640x128xf32, #tpu.memory_space<hbm>>, %arg7: memref<2x10240x128xf32, #tpu.memory_space<hbm>>, %arg8: memref<128xi32, #tpu.memory_space<vmem>>, %arg9: memref<128xi32, #tpu.memory_space<vmem>>, %arg10: memref<128xi32, #tpu.memory_space<vmem>>, %arg11: memref<128xi32, #tpu.memory_space<vmem>>, %arg12: memref<128x128xf32, #tpu.memory_space<vmem>>, %arg13: memref<128x128xf32, #tpu.memory_space<vmem>>, %arg14: memref<10240x128xf32, #tpu.memory_space<vmem_shared>>, %arg15: memref<!tpu.dma_semaphore, #tpu.memory_space<semaphore_mem>>, %arg16: memref<!tpu.dma_semaphore, #tpu.memory_space<semaphore_mem>>, %arg17: memref<!tpu.dma_semaphore, #tpu.memory_space<semaphore_mem>>, %arg18: memref<!tpu.dma_semaphore, #tpu.memory_space<semaphore_mem>>) attributes {dimension_semantics = [#tpu.dimension_semantics<core_parallel>, #tpu.dimension_semantics<subcore_parallel>], iteration_bounds = array<i64: 2, 16>, scalar_prefetch = 0 : i64, scratch_operands = 11 : i64, tpu.core_type = #tpu.core_type<sc_vector_subcore>, window_params = [{transform_indices = #map}, {transform_indices = #map}, {transform_indices = #map1}, {transform_indices = #map1}, {transform_indices = #map}, {transform_indices = #map2}]} {
    %mul3A = arith.constant 20480 : i32
    %mul3A_0 = arith.muli %arg1, %mul3A : i32
    %mul3A_1 = arith.constant 640 : i32
    %mul3A_2 = arith.muli %arg1, %mul3A_1 : i32
    "tpu.region"() ({
      %run_scoped3A = tpu.sem_alloc : memref<!tpu.dma_semaphore, #tpu.memory_space<semaphore_mem>>
      %dma_start3A_35 = arith.constant 0 : i32
      %dma_start3A_36 = tpu.memref_slice %arg14[%mul3A_2, %dma_start3A_35] : memref<10240x128xf32, #tpu.memory_space<vmem_shared>> -> memref<640x128xf32, #tpu.memory_space<vmem_shared>>
      tpu.enqueue_dma source(%arg6 : memref<640x128xf32, #tpu.memory_space<hbm>>) target(%dma_start3A_36 : memref<640x128xf32, #tpu.memory_space<vmem_shared>>) target_semaphore(%run_scoped3A : memref<!tpu.dma_semaphore, #tpu.memory_space<semaphore_mem>>)
      %dma_wait3A_37 = arith.constant 0 : i32
      %dma_wait3A_38 = tpu.memref_slice %arg14[%mul3A_2, %dma_wait3A_37] : memref<10240x128xf32, #tpu.memory_space<vmem_shared>> -> memref<640x128xf32, #tpu.memory_space<vmem_shared>>
      tpu.wait_dma2 semaphore(%run_scoped3A : memref<!tpu.dma_semaphore, #tpu.memory_space<semaphore_mem>>) src(%arg6 : memref<640x128xf32, #tpu.memory_space<hbm>>) dst(%dma_wait3A_38 : memref<640x128xf32, #tpu.memory_space<vmem_shared>>)
      tpu.yield
    }) : () -> ()
    %barrier3A = arith.constant 0 : index
    tpu.barrier barrier_id(%barrier3A)
    %add3A = arith.constant 0 : i32
    %add3A_3 = arith.addi %mul3A_0, %add3A : i32
    %dma_start3A = tpu.memref_slice %arg4[%add3A_3] : memref<327680xi32, #tpu.memory_space<hbm>> -> memref<128xi32, #tpu.memory_space<hbm>>
    %dma_start3A_4 = tpu.memref_slice %arg4[%add3A_3] : memref<327680xi32, #tpu.memory_space<hbm>> -> memref<128xi32, #tpu.memory_space<hbm>>
    tpu.enqueue_dma source(%dma_start3A_4 : memref<128xi32, #tpu.memory_space<hbm>>) target(%arg8 : memref<128xi32, #tpu.memory_space<vmem>>) target_semaphore(%arg15 : memref<!tpu.dma_semaphore, #tpu.memory_space<semaphore_mem>>)
    %dma_start3A_5 = tpu.memref_slice %arg5[%add3A_3] : memref<327680xi32, #tpu.memory_space<hbm>> -> memref<128xi32, #tpu.memory_space<hbm>>
    %dma_start3A_6 = tpu.memref_slice %arg5[%add3A_3] : memref<327680xi32, #tpu.memory_space<hbm>> -> memref<128xi32, #tpu.memory_space<hbm>>
    tpu.enqueue_dma source(%dma_start3A_6 : memref<128xi32, #tpu.memory_space<hbm>>) target(%arg10 : memref<128xi32, #tpu.memory_space<vmem>>) target_semaphore(%arg15 : memref<!tpu.dma_semaphore, #tpu.memory_space<semaphore_mem>>)
    %add3A_7 = arith.constant 128 : i32
    %add3A_8 = arith.addi %mul3A_0, %add3A_7 : i32
    %dma_start3A_9 = tpu.memref_slice %arg4[%add3A_8] : memref<327680xi32, #tpu.memory_space<hbm>> -> memref<128xi32, #tpu.memory_space<hbm>>
    %dma_start3A_10 = tpu.memref_slice %arg4[%add3A_8] : memref<327680xi32, #tpu.memory_space<hbm>> -> memref<128xi32, #tpu.memory_space<hbm>>
    tpu.enqueue_dma source(%dma_start3A_10 : memref<128xi32, #tpu.memory_space<hbm>>) target(%arg9 : memref<128xi32, #tpu.memory_space<vmem>>) target_semaphore(%arg16 : memref<!tpu.dma_semaphore, #tpu.memory_space<semaphore_mem>>)
    %dma_start3A_11 = tpu.memref_slice %arg5[%add3A_8] : memref<327680xi32, #tpu.memory_space<hbm>> -> memref<128xi32, #tpu.memory_space<hbm>>
    %dma_start3A_12 = tpu.memref_slice %arg5[%add3A_8] : memref<327680xi32, #tpu.memory_space<hbm>> -> memref<128xi32, #tpu.memory_space<hbm>>
    tpu.enqueue_dma source(%dma_start3A_12 : memref<128xi32, #tpu.memory_space<hbm>>) target(%arg11 : memref<128xi32, #tpu.memory_space<vmem>>) target_semaphore(%arg16 : memref<!tpu.dma_semaphore, #tpu.memory_space<semaphore_mem>>)
    %add3A_13 = arith.constant 0 : i32
    %add3A_14 = arith.addi %mul3A_0, %add3A_13 : i32
    %dma_wait3A = tpu.memref_slice %arg4[%add3A_14] : memref<327680xi32, #tpu.memory_space<hbm>> -> memref<128xi32, #tpu.memory_space<hbm>>
    %dma_wait3A_15 = tpu.memref_slice %arg4[%add3A_14] : memref<327680xi32, #tpu.memory_space<hbm>> -> memref<128xi32, #tpu.memory_space<hbm>>
    tpu.wait_dma2 semaphore(%arg15 : memref<!tpu.dma_semaphore, #tpu.memory_space<semaphore_mem>>) src(%dma_wait3A_15 : memref<128xi32, #tpu.memory_space<hbm>>) dst(%arg8 : memref<128xi32, #tpu.memory_space<vmem>>)
    %dma_wait3A_16 = tpu.memref_slice %arg5[%add3A_14] : memref<327680xi32, #tpu.memory_space<hbm>> -> memref<128xi32, #tpu.memory_space<hbm>>
    %dma_wait3A_17 = tpu.memref_slice %arg5[%add3A_14] : memref<327680xi32, #tpu.memory_space<hbm>> -> memref<128xi32, #tpu.memory_space<hbm>>
    tpu.wait_dma2 semaphore(%arg15 : memref<!tpu.dma_semaphore, #tpu.memory_space<semaphore_mem>>) src(%dma_wait3A_17 : memref<128xi32, #tpu.memory_space<hbm>>) dst(%arg10 : memref<128xi32, #tpu.memory_space<vmem>>)
    %eq3A = arith.constant 0 : i32
    %eq3A_18 = arith.cmpi eq, %arg0, %eq3A : i32
    %convert_element_type3A = arith.extui %eq3A_18 : i1 to i32
    %cond3A = arith.constant 0 : i32
    %cond3A_19 = arith.cmpi ne, %convert_element_type3A, %cond3A : i32
    scf.if %cond3A_19 {
      %dma_start3A_35 = arith.constant 0 : i32
      %dma_start3A_36 = arith.constant 0 : i32
      %dma_start3A_37 = tpu.memref_slice %arg2[%dma_start3A_35, %dma_start3A_36] : memref<10000x128xf32, #tpu.memory_space<hbm>> -> memref<10000x128xf32, #tpu.memory_space<hbm>>
      tpu.enqueue_indirect_dma source(%dma_start3A_37 : memref<10000x128xf32, #tpu.memory_space<hbm>>) target(%arg12 : memref<128x128xf32, #tpu.memory_space<vmem>>) offsets(%arg8 : memref<128xi32, #tpu.memory_space<vmem>>) semaphore(%arg17 : memref<!tpu.dma_semaphore, #tpu.memory_space<semaphore_mem>>)
    } else {
    }
    %eq3A_20 = arith.constant 1 : i32
    %eq3A_21 = arith.cmpi eq, %arg0, %eq3A_20 : i32
    %convert_element_type3A_22 = arith.extui %eq3A_21 : i1 to i32
    %cond3A_23 = arith.constant 0 : i32
    %cond3A_24 = arith.cmpi ne, %convert_element_type3A_22, %cond3A_23 : i32
    scf.if %cond3A_24 {
      %dma_start3A_35 = arith.constant 0 : i32
      %dma_start3A_36 = arith.constant 0 : i32
      %dma_start3A_37 = tpu.memref_slice %arg3[%dma_start3A_35, %dma_start3A_36] : memref<10000x128xf32, #tpu.memory_space<hbm>> -> memref<10000x128xf32, #tpu.memory_space<hbm>>
      tpu.enqueue_indirect_dma source(%dma_start3A_37 : memref<10000x128xf32, #tpu.memory_space<hbm>>) target(%arg12 : memref<128x128xf32, #tpu.memory_space<vmem>>) offsets(%arg8 : memref<128xi32, #tpu.memory_space<vmem>>) semaphore(%arg17 : memref<!tpu.dma_semaphore, #tpu.memory_space<semaphore_mem>>)
    } else {
    }
    %scan3A = arith.constant 0 : i32
    %scan3A_25 = arith.constant 0 : i32
    %scan3A_26 = arith.constant 80 : i32
    %scan3A_27 = arith.addi %scan3A_25, %scan3A_26 : i32
    %scan3A_28 = arith.constant 1 : i32
    scf.for %scan3A_35 = %scan3A_25 to %scan3A_27 step %scan3A_28  : i32 {
      %mul3A_36 = arith.constant 2 : i32
      %mul3A_37 = arith.muli %mul3A_36, %scan3A_35 : i32
      %add3A_38 = arith.constant 1 : i32
      %add3A_39 = arith.addi %mul3A_37, %add3A_38 : i32
      %lt3A = arith.constant 160 : i32
      %lt3A_40 = arith.cmpi slt, %add3A_39, %lt3A : i32
      %convert_element_type3A_41 = arith.extui %lt3A_40 : i1 to i32
      %cond3A_42 = arith.constant 0 : i32
      %cond3A_43 = arith.cmpi ne, %convert_element_type3A_41, %cond3A_42 : i32
      scf.if %cond3A_43 {
        %add3A_75 = arith.constant 1 : i32
        %add3A_76 = arith.addi %mul3A_37, %add3A_75 : i32
        %mul3A_77 = arith.constant 128 : i32
        %mul3A_78 = arith.muli %add3A_76, %mul3A_77 : i32
        %add3A_79 = arith.addi %mul3A_0, %mul3A_78 : i32
        %dma_wait3A_80 = tpu.memref_slice %arg4[%add3A_79] : memref<327680xi32, #tpu.memory_space<hbm>> -> memref<128xi32, #tpu.memory_space<hbm>>
        %dma_wait3A_81 = tpu.memref_slice %arg4[%add3A_79] : memref<327680xi32, #tpu.memory_space<hbm>> -> memref<128xi32, #tpu.memory_space<hbm>>
        tpu.wait_dma2 semaphore(%arg16 : memref<!tpu.dma_semaphore, #tpu.memory_space<semaphore_mem>>) src(%dma_wait3A_81 : memref<128xi32, #tpu.memory_space<hbm>>) dst(%arg9 : memref<128xi32, #tpu.memory_space<vmem>>)
        %dma_wait3A_82 = tpu.memref_slice %arg5[%add3A_79] : memref<327680xi32, #tpu.memory_space<hbm>> -> memref<128xi32, #tpu.memory_space<hbm>>
        %dma_wait3A_83 = tpu.memref_slice %arg5[%add3A_79] : memref<327680xi32, #tpu.memory_space<hbm>> -> memref<128xi32, #tpu.memory_space<hbm>>
        tpu.wait_dma2 semaphore(%arg16 : memref<!tpu.dma_semaphore, #tpu.memory_space<semaphore_mem>>) src(%dma_wait3A_83 : memref<128xi32, #tpu.memory_space<hbm>>) dst(%arg11 : memref<128xi32, #tpu.memory_space<vmem>>)
        %eq3A_84 = arith.constant 0 : i32
        %eq3A_85 = arith.cmpi eq, %arg0, %eq3A_84 : i32
        %convert_element_type3A_86 = arith.extui %eq3A_85 : i1 to i32
        %cond3A_87 = arith.constant 0 : i32
        %cond3A_88 = arith.cmpi ne, %convert_element_type3A_86, %cond3A_87 : i32
        scf.if %cond3A_88 {
          %dma_start3A_94 = arith.constant 0 : i32
          %dma_start3A_95 = arith.constant 0 : i32
          %dma_start3A_96 = tpu.memref_slice %arg2[%dma_start3A_94, %dma_start3A_95] : memref<10000x128xf32, #tpu.memory_space<hbm>> -> memref<10000x128xf32, #tpu.memory_space<hbm>>
          tpu.enqueue_indirect_dma source(%dma_start3A_96 : memref<10000x128xf32, #tpu.memory_space<hbm>>) target(%arg13 : memref<128x128xf32, #tpu.memory_space<vmem>>) offsets(%arg9 : memref<128xi32, #tpu.memory_space<vmem>>) semaphore(%arg18 : memref<!tpu.dma_semaphore, #tpu.memory_space<semaphore_mem>>)
        } else {
        }
        %eq3A_89 = arith.constant 1 : i32
        %eq3A_90 = arith.cmpi eq, %arg0, %eq3A_89 : i32
        %convert_element_type3A_91 = arith.extui %eq3A_90 : i1 to i32
        %cond3A_92 = arith.constant 0 : i32
        %cond3A_93 = arith.cmpi ne, %convert_element_type3A_91, %cond3A_92 : i32
        scf.if %cond3A_93 {
          %dma_start3A_94 = arith.constant 0 : i32
          %dma_start3A_95 = arith.constant 0 : i32
          %dma_start3A_96 = tpu.memref_slice %arg3[%dma_start3A_94, %dma_start3A_95] : memref<10000x128xf32, #tpu.memory_space<hbm>> -> memref<10000x128xf32, #tpu.memory_space<hbm>>
          tpu.enqueue_indirect_dma source(%dma_start3A_96 : memref<10000x128xf32, #tpu.memory_space<hbm>>) target(%arg13 : memref<128x128xf32, #tpu.memory_space<vmem>>) offsets(%arg9 : memref<128xi32, #tpu.memory_space<vmem>>) semaphore(%arg18 : memref<!tpu.dma_semaphore, #tpu.memory_space<semaphore_mem>>)
        } else {
        }
      } else {
      }
      %dma_wait3A_44 = arith.constant 0 : i32
      %dma_wait3A_45 = arith.constant 0 : i32
      %dma_wait3A_46 = tpu.memref_slice %arg2[%dma_wait3A_44, %dma_wait3A_45] : memref<10000x128xf32, #tpu.memory_space<hbm>> -> memref<10000x128xf32, #tpu.memory_space<hbm>>
      tpu.wait_indirect_dma semaphore(%arg17 : memref<!tpu.dma_semaphore, #tpu.memory_space<semaphore_mem>>) src(%dma_wait3A_46 : memref<10000x128xf32, #tpu.memory_space<hbm>>) dst(%arg12 : memref<128x128xf32, #tpu.memory_space<vmem>>)
      "tpu.region"() ({
        %run_scoped3A = tpu.sem_alloc : memref<!tpu.dma_semaphore, #tpu.memory_space<semaphore_mem>>
        %dma_start3A_75 = arith.constant 0 : i32
        %dma_start3A_76 = arith.constant 0 : i32
        %dma_start3A_77 = tpu.memref_slice %arg14[%dma_start3A_75, %dma_start3A_76] : memref<10240x128xf32, #tpu.memory_space<vmem_shared>> -> memref<10240x128xf32, #tpu.memory_space<vmem_shared>>
        tpu.enqueue_indirect_dma source(%arg12 : memref<128x128xf32, #tpu.memory_space<vmem>>) target(%dma_start3A_77 : memref<10240x128xf32, #tpu.memory_space<vmem_shared>>) offsets(%arg10 : memref<128xi32, #tpu.memory_space<vmem>>) semaphore(%run_scoped3A : memref<!tpu.dma_semaphore, #tpu.memory_space<semaphore_mem>>) {add = true}
        %dma_wait3A_78 = arith.constant 0 : i32
        %dma_wait3A_79 = arith.constant 0 : i32
        %dma_wait3A_80 = tpu.memref_slice %arg14[%dma_wait3A_78, %dma_wait3A_79] : memref<10240x128xf32, #tpu.memory_space<vmem_shared>> -> memref<10240x128xf32, #tpu.memory_space<vmem_shared>>
        tpu.wait_indirect_dma semaphore(%run_scoped3A : memref<!tpu.dma_semaphore, #tpu.memory_space<semaphore_mem>>) src(%arg12 : memref<128x128xf32, #tpu.memory_space<vmem>>) dst(%dma_wait3A_80 : memref<10240x128xf32, #tpu.memory_space<vmem_shared>>)
        tpu.yield
      }) : () -> ()
      %add3A_47 = arith.constant 2 : i32
      %add3A_48 = arith.addi %mul3A_37, %add3A_47 : i32
      %lt3A_49 = arith.constant 160 : i32
      %lt3A_50 = arith.cmpi slt, %add3A_48, %lt3A_49 : i32
      %convert_element_type3A_51 = arith.extui %lt3A_50 : i1 to i32
      %cond3A_52 = arith.constant 0 : i32
      %cond3A_53 = arith.cmpi ne, %convert_element_type3A_51, %cond3A_52 : i32
      scf.if %cond3A_53 {
        %add3A_75 = arith.constant 2 : i32
        %add3A_76 = arith.addi %mul3A_37, %add3A_75 : i32
        %mul3A_77 = arith.constant 128 : i32
        %mul3A_78 = arith.muli %add3A_76, %mul3A_77 : i32
        %add3A_79 = arith.addi %mul3A_0, %mul3A_78 : i32
        %dma_start3A_80 = tpu.memref_slice %arg4[%add3A_79] : memref<327680xi32, #tpu.memory_space<hbm>> -> memref<128xi32, #tpu.memory_space<hbm>>
        %dma_start3A_81 = tpu.memref_slice %arg4[%add3A_79] : memref<327680xi32, #tpu.memory_space<hbm>> -> memref<128xi32, #tpu.memory_space<hbm>>
        tpu.enqueue_dma source(%dma_start3A_81 : memref<128xi32, #tpu.memory_space<hbm>>) target(%arg8 : memref<128xi32, #tpu.memory_space<vmem>>) target_semaphore(%arg15 : memref<!tpu.dma_semaphore, #tpu.memory_space<semaphore_mem>>)
        %dma_start3A_82 = tpu.memref_slice %arg5[%add3A_79] : memref<327680xi32, #tpu.memory_space<hbm>> -> memref<128xi32, #tpu.memory_space<hbm>>
        %dma_start3A_83 = tpu.memref_slice %arg5[%add3A_79] : memref<327680xi32, #tpu.memory_space<hbm>> -> memref<128xi32, #tpu.memory_space<hbm>>
        tpu.enqueue_dma source(%dma_start3A_83 : memref<128xi32, #tpu.memory_space<hbm>>) target(%arg10 : memref<128xi32, #tpu.memory_space<vmem>>) target_semaphore(%arg15 : memref<!tpu.dma_semaphore, #tpu.memory_space<semaphore_mem>>)
      } else {
      }
      %mul3A_54 = arith.constant 2 : i32
      %mul3A_55 = arith.muli %mul3A_54, %scan3A_35 : i32
      %add3A_56 = arith.constant 1 : i32
      %add3A_57 = arith.addi %mul3A_55, %add3A_56 : i32
      %add3A_58 = arith.constant 1 : i32
      %add3A_59 = arith.addi %add3A_57, %add3A_58 : i32
      %lt3A_60 = arith.constant 160 : i32
      %lt3A_61 = arith.cmpi slt, %add3A_59, %lt3A_60 : i32
      %convert_element_type3A_62 = arith.extui %lt3A_61 : i1 to i32
      %cond3A_63 = arith.constant 0 : i32
      %cond3A_64 = arith.cmpi ne, %convert_element_type3A_62, %cond3A_63 : i32
      scf.if %cond3A_64 {
        %add3A_75 = arith.constant 1 : i32
        %add3A_76 = arith.addi %add3A_57, %add3A_75 : i32
        %mul3A_77 = arith.constant 128 : i32
        %mul3A_78 = arith.muli %add3A_76, %mul3A_77 : i32
        %add3A_79 = arith.addi %mul3A_0, %mul3A_78 : i32
        %dma_wait3A_80 = tpu.memref_slice %arg4[%add3A_79] : memref<327680xi32, #tpu.memory_space<hbm>> -> memref<128xi32, #tpu.memory_space<hbm>>
        %dma_wait3A_81 = tpu.memref_slice %arg4[%add3A_79] : memref<327680xi32, #tpu.memory_space<hbm>> -> memref<128xi32, #tpu.memory_space<hbm>>
        tpu.wait_dma2 semaphore(%arg15 : memref<!tpu.dma_semaphore, #tpu.memory_space<semaphore_mem>>) src(%dma_wait3A_81 : memref<128xi32, #tpu.memory_space<hbm>>) dst(%arg8 : memref<128xi32, #tpu.memory_space<vmem>>)
        %dma_wait3A_82 = tpu.memref_slice %arg5[%add3A_79] : memref<327680xi32, #tpu.memory_space<hbm>> -> memref<128xi32, #tpu.memory_space<hbm>>
        %dma_wait3A_83 = tpu.memref_slice %arg5[%add3A_79] : memref<327680xi32, #tpu.memory_space<hbm>> -> memref<128xi32, #tpu.memory_space<hbm>>
        tpu.wait_dma2 semaphore(%arg15 : memref<!tpu.dma_semaphore, #tpu.memory_space<semaphore_mem>>) src(%dma_wait3A_83 : memref<128xi32, #tpu.memory_space<hbm>>) dst(%arg10 : memref<128xi32, #tpu.memory_space<vmem>>)
        %eq3A_84 = arith.constant 0 : i32
        %eq3A_85 = arith.cmpi eq, %arg0, %eq3A_84 : i32
        %convert_element_type3A_86 = arith.extui %eq3A_85 : i1 to i32
        %cond3A_87 = arith.constant 0 : i32
        %cond3A_88 = arith.cmpi ne, %convert_element_type3A_86, %cond3A_87 : i32
        scf.if %cond3A_88 {
          %dma_start3A_94 = arith.constant 0 : i32
          %dma_start3A_95 = arith.constant 0 : i32
          %dma_start3A_96 = tpu.memref_slice %arg2[%dma_start3A_94, %dma_start3A_95] : memref<10000x128xf32, #tpu.memory_space<hbm>> -> memref<10000x128xf32, #tpu.memory_space<hbm>>
          tpu.enqueue_indirect_dma source(%dma_start3A_96 : memref<10000x128xf32, #tpu.memory_space<hbm>>) target(%arg12 : memref<128x128xf32, #tpu.memory_space<vmem>>) offsets(%arg8 : memref<128xi32, #tpu.memory_space<vmem>>) semaphore(%arg17 : memref<!tpu.dma_semaphore, #tpu.memory_space<semaphore_mem>>)
        } else {
        }
        %eq3A_89 = arith.constant 1 : i32
        %eq3A_90 = arith.cmpi eq, %arg0, %eq3A_89 : i32
        %convert_element_type3A_91 = arith.extui %eq3A_90 : i1 to i32
        %cond3A_92 = arith.constant 0 : i32
        %cond3A_93 = arith.cmpi ne, %convert_element_type3A_91, %cond3A_92 : i32
        scf.if %cond3A_93 {
          %dma_start3A_94 = arith.constant 0 : i32
          %dma_start3A_95 = arith.constant 0 : i32
          %dma_start3A_96 = tpu.memref_slice %arg3[%dma_start3A_94, %dma_start3A_95] : memref<10000x128xf32, #tpu.memory_space<hbm>> -> memref<10000x128xf32, #tpu.memory_space<hbm>>
          tpu.enqueue_indirect_dma source(%dma_start3A_96 : memref<10000x128xf32, #tpu.memory_space<hbm>>) target(%arg12 : memref<128x128xf32, #tpu.memory_space<vmem>>) offsets(%arg8 : memref<128xi32, #tpu.memory_space<vmem>>) semaphore(%arg17 : memref<!tpu.dma_semaphore, #tpu.memory_space<semaphore_mem>>)
        } else {
        }
      } else {
      }
      %dma_wait3A_65 = arith.constant 0 : i32
      %dma_wait3A_66 = arith.constant 0 : i32
      %dma_wait3A_67 = tpu.memref_slice %arg2[%dma_wait3A_65, %dma_wait3A_66] : memref<10000x128xf32, #tpu.memory_space<hbm>> -> memref<10000x128xf32, #tpu.memory_space<hbm>>
      tpu.wait_indirect_dma semaphore(%arg18 : memref<!tpu.dma_semaphore, #tpu.memory_space<semaphore_mem>>) src(%dma_wait3A_67 : memref<10000x128xf32, #tpu.memory_space<hbm>>) dst(%arg13 : memref<128x128xf32, #tpu.memory_space<vmem>>)
      "tpu.region"() ({
        %run_scoped3A = tpu.sem_alloc : memref<!tpu.dma_semaphore, #tpu.memory_space<semaphore_mem>>
        %dma_start3A_75 = arith.constant 0 : i32
        %dma_start3A_76 = arith.constant 0 : i32
        %dma_start3A_77 = tpu.memref_slice %arg14[%dma_start3A_75, %dma_start3A_76] : memref<10240x128xf32, #tpu.memory_space<vmem_shared>> -> memref<10240x128xf32, #tpu.memory_space<vmem_shared>>
        tpu.enqueue_indirect_dma source(%arg13 : memref<128x128xf32, #tpu.memory_space<vmem>>) target(%dma_start3A_77 : memref<10240x128xf32, #tpu.memory_space<vmem_shared>>) offsets(%arg11 : memref<128xi32, #tpu.memory_space<vmem>>) semaphore(%run_scoped3A : memref<!tpu.dma_semaphore, #tpu.memory_space<semaphore_mem>>) {add = true}
        %dma_wait3A_78 = arith.constant 0 : i32
        %dma_wait3A_79 = arith.constant 0 : i32
        %dma_wait3A_80 = tpu.memref_slice %arg14[%dma_wait3A_78, %dma_wait3A_79] : memref<10240x128xf32, #tpu.memory_space<vmem_shared>> -> memref<10240x128xf32, #tpu.memory_space<vmem_shared>>
        tpu.wait_indirect_dma semaphore(%run_scoped3A : memref<!tpu.dma_semaphore, #tpu.memory_space<semaphore_mem>>) src(%arg13 : memref<128x128xf32, #tpu.memory_space<vmem>>) dst(%dma_wait3A_80 : memref<10240x128xf32, #tpu.memory_space<vmem_shared>>)
        tpu.yield
      }) : () -> ()
      %add3A_68 = arith.constant 2 : i32
      %add3A_69 = arith.addi %add3A_57, %add3A_68 : i32
      %lt3A_70 = arith.constant 160 : i32
      %lt3A_71 = arith.cmpi slt, %add3A_69, %lt3A_70 : i32
      %convert_element_type3A_72 = arith.extui %lt3A_71 : i1 to i32
      %cond3A_73 = arith.constant 0 : i32
      %cond3A_74 = arith.cmpi ne, %convert_element_type3A_72, %cond3A_73 : i32
      scf.if %cond3A_74 {
        %add3A_75 = arith.constant 2 : i32
        %add3A_76 = arith.addi %add3A_57, %add3A_75 : i32
        %mul3A_77 = arith.constant 128 : i32
        %mul3A_78 = arith.muli %add3A_76, %mul3A_77 : i32
        %add3A_79 = arith.addi %mul3A_0, %mul3A_78 : i32
        %dma_start3A_80 = tpu.memref_slice %arg4[%add3A_79] : memref<327680xi32, #tpu.memory_space<hbm>> -> memref<128xi32, #tpu.memory_space<hbm>>
        %dma_start3A_81 = tpu.memref_slice %arg4[%add3A_79] : memref<327680xi32, #tpu.memory_space<hbm>> -> memref<128xi32, #tpu.memory_space<hbm>>
        tpu.enqueue_dma source(%dma_start3A_81 : memref<128xi32, #tpu.memory_space<hbm>>) target(%arg9 : memref<128xi32, #tpu.memory_space<vmem>>) target_semaphore(%arg16 : memref<!tpu.dma_semaphore, #tpu.memory_space<semaphore_mem>>)
        %dma_start3A_82 = tpu.memref_slice %arg5[%add3A_79] : memref<327680xi32, #tpu.memory_space<hbm>> -> memref<128xi32, #tpu.memory_space<hbm>>
        %dma_start3A_83 = tpu.memref_slice %arg5[%add3A_79] : memref<327680xi32, #tpu.memory_space<hbm>> -> memref<128xi32, #tpu.memory_space<hbm>>
        tpu.enqueue_dma source(%dma_start3A_83 : memref<128xi32, #tpu.memory_space<hbm>>) target(%arg11 : memref<128xi32, #tpu.memory_space<vmem>>) target_semaphore(%arg16 : memref<!tpu.dma_semaphore, #tpu.memory_space<semaphore_mem>>)
      } else {
      }
    }
    %scan3A_29 = arith.constant 80 : i32
    %barrier3A_30 = arith.constant 0 : index
    tpu.barrier barrier_id(%barrier3A_30)
    %mul3A_31 = arith.constant 640 : i32
    %mul3A_32 = arith.muli %arg1, %mul3A_31 : i32
    %mul3A_33 = arith.constant 640 : i32
    %mul3A_34 = arith.muli %arg1, %mul3A_33 : i32
    "tpu.region"() ({
      %run_scoped3A = tpu.sem_alloc : memref<!tpu.dma_semaphore, #tpu.memory_space<semaphore_mem>>
      %dma_start3A_35 = arith.constant 0 : i32
      %dma_start3A_36 = tpu.memref_slice %arg7[%arg0, %mul3A_34, %dma_start3A_35] : memref<2x10240x128xf32, #tpu.memory_space<hbm>> -> memref<1x640x128xf32, #tpu.memory_space<hbm>>
      %dma_start3A_37 = tpu.memref_squeeze %dma_start3A_36 : memref<1x640x128xf32, #tpu.memory_space<hbm>> -> memref<640x128xf32, #tpu.memory_space<hbm>>
      %dma_start3A_38 = arith.constant 0 : i32
      %dma_start3A_39 = tpu.memref_slice %arg14[%mul3A_32, %dma_start3A_38] : memref<10240x128xf32, #tpu.memory_space<vmem_shared>> -> memref<640x128xf32, #tpu.memory_space<vmem_shared>>
      tpu.enqueue_dma source(%dma_start3A_39 : memref<640x128xf32, #tpu.memory_space<vmem_shared>>) target(%dma_start3A_37 : memref<640x128xf32, #tpu.memory_space<hbm>>) target_semaphore(%run_scoped3A : memref<!tpu.dma_semaphore, #tpu.memory_space<semaphore_mem>>)
      %dma_wait3A_40 = arith.constant 0 : i32
      %dma_wait3A_41 = tpu.memref_slice %arg7[%arg0, %mul3A_34, %dma_wait3A_40] : memref<2x10240x128xf32, #tpu.memory_space<hbm>> -> memref<1x640x128xf32, #tpu.memory_space<hbm>>
      %dma_wait3A_42 = tpu.memref_squeeze %dma_wait3A_41 : memref<1x640x128xf32, #tpu.memory_space<hbm>> -> memref<640x128xf32, #tpu.memory_space<hbm>>
      %dma_wait3A_43 = arith.constant 0 : i32
      %dma_wait3A_44 = tpu.memref_slice %arg14[%mul3A_32, %dma_wait3A_43] : memref<10240x128xf32, #tpu.memory_space<vmem_shared>> -> memref<640x128xf32, #tpu.memory_space<vmem_shared>>
      tpu.wait_dma2 semaphore(%run_scoped3A : memref<!tpu.dma_semaphore, #tpu.memory_space<semaphore_mem>>) src(%dma_wait3A_44 : memref<640x128xf32, #tpu.memory_space<vmem_shared>>) dst(%dma_wait3A_42 : memref<640x128xf32, #tpu.memory_space<hbm>>)
      tpu.yield
    }) : () -> ()
    return
  }
}

#map = affine_map<(d0, d1) -> (0, 0)>
#map1 = affine_map<(d0, d1) -> (0)>
#map2 = affine_map<(d0, d1) -> (0, 0, 0)>
module attributes {stable_mosaic.version = 14 : i64} {
  func.func @_sc_gin_agg(%arg0: i32, %arg1: i32, %arg2: memref<10000x128xf32, #tpu.memory_space<hbm>>, %arg3: memref<327680xi32, #tpu.memory_space<hbm>>, %arg4: memref<327680xi32, #tpu.memory_space<hbm>>, %arg5: memref<640x128xf32, #tpu.memory_space<hbm>>, %arg6: memref<640xf32, #tpu.memory_space<hbm>>, %arg7: memref<128xf32, #tpu.memory_space<hbm>>, %arg8: memref<2x10240x128xf32, #tpu.memory_space<hbm>>, %arg9: memref<2x10240xf32, #tpu.memory_space<hbm>>, %arg10: memref<128xi32, #tpu.memory_space<vmem>>, %arg11: memref<128xi32, #tpu.memory_space<vmem>>, %arg12: memref<128xi32, #tpu.memory_space<vmem>>, %arg13: memref<128xi32, #tpu.memory_space<vmem>>, %arg14: memref<128x128xf32, #tpu.memory_space<vmem>>, %arg15: memref<128x128xf32, #tpu.memory_space<vmem>>, %arg16: memref<128xf32, #tpu.memory_space<vmem>>, %arg17: memref<10240x128xf32, #tpu.memory_space<vmem_shared>>, %arg18: memref<10240xf32, #tpu.memory_space<vmem_shared>>, %arg19: memref<!tpu.dma_semaphore, #tpu.memory_space<semaphore_mem>>, %arg20: memref<!tpu.dma_semaphore, #tpu.memory_space<semaphore_mem>>, %arg21: memref<!tpu.dma_semaphore, #tpu.memory_space<semaphore_mem>>, %arg22: memref<!tpu.dma_semaphore, #tpu.memory_space<semaphore_mem>>) attributes {dimension_semantics = [#tpu.dimension_semantics<core_parallel>, #tpu.dimension_semantics<subcore_parallel>], iteration_bounds = array<i64: 2, 16>, scalar_prefetch = 0 : i64, scratch_operands = 13 : i64, tpu.core_type = #tpu.core_type<sc_vector_subcore>, window_params = [{transform_indices = #map}, {transform_indices = #map1}, {transform_indices = #map1}, {transform_indices = #map}, {transform_indices = #map1}, {transform_indices = #map1}, {transform_indices = #map2}, {transform_indices = #map}]} {
    %mul3A = arith.constant 16 : i32
    %mul3A_0 = arith.muli %arg0, %mul3A : i32
    %add3A = arith.addi %mul3A_0, %arg1 : i32
    %mul3A_1 = arith.constant 10240 : i32
    %mul3A_2 = arith.muli %add3A, %mul3A_1 : i32
    %mul3A_3 = arith.constant 640 : i32
    %mul3A_4 = arith.muli %arg1, %mul3A_3 : i32
    "tpu.region"() ({
      %run_scoped3A = tpu.sem_alloc : memref<!tpu.dma_semaphore, #tpu.memory_space<semaphore_mem>>
      %dma_start3A_40 = arith.constant 0 : i32
      %dma_start3A_41 = tpu.memref_slice %arg17[%mul3A_4, %dma_start3A_40] : memref<10240x128xf32, #tpu.memory_space<vmem_shared>> -> memref<640x128xf32, #tpu.memory_space<vmem_shared>>
      tpu.enqueue_dma source(%arg5 : memref<640x128xf32, #tpu.memory_space<hbm>>) target(%dma_start3A_41 : memref<640x128xf32, #tpu.memory_space<vmem_shared>>) target_semaphore(%run_scoped3A : memref<!tpu.dma_semaphore, #tpu.memory_space<semaphore_mem>>)
      %dma_wait3A_42 = arith.constant 0 : i32
      %dma_wait3A_43 = tpu.memref_slice %arg17[%mul3A_4, %dma_wait3A_42] : memref<10240x128xf32, #tpu.memory_space<vmem_shared>> -> memref<640x128xf32, #tpu.memory_space<vmem_shared>>
      tpu.wait_dma2 semaphore(%run_scoped3A : memref<!tpu.dma_semaphore, #tpu.memory_space<semaphore_mem>>) src(%arg5 : memref<640x128xf32, #tpu.memory_space<hbm>>) dst(%dma_wait3A_43 : memref<640x128xf32, #tpu.memory_space<vmem_shared>>)
      tpu.yield
    }) : () -> ()
    %mul3A_5 = arith.constant 640 : i32
    %mul3A_6 = arith.muli %arg1, %mul3A_5 : i32
    "tpu.region"() ({
      %run_scoped3A = tpu.sem_alloc : memref<!tpu.dma_semaphore, #tpu.memory_space<semaphore_mem>>
      %dma_start3A_40 = tpu.memref_slice %arg18[%mul3A_6] : memref<10240xf32, #tpu.memory_space<vmem_shared>> -> memref<640xf32, #tpu.memory_space<vmem_shared>>
      tpu.enqueue_dma source(%arg6 : memref<640xf32, #tpu.memory_space<hbm>>) target(%dma_start3A_40 : memref<640xf32, #tpu.memory_space<vmem_shared>>) target_semaphore(%run_scoped3A : memref<!tpu.dma_semaphore, #tpu.memory_space<semaphore_mem>>)
      %dma_wait3A_41 = tpu.memref_slice %arg18[%mul3A_6] : memref<10240xf32, #tpu.memory_space<vmem_shared>> -> memref<640xf32, #tpu.memory_space<vmem_shared>>
      tpu.wait_dma2 semaphore(%run_scoped3A : memref<!tpu.dma_semaphore, #tpu.memory_space<semaphore_mem>>) src(%arg6 : memref<640xf32, #tpu.memory_space<hbm>>) dst(%dma_wait3A_41 : memref<640xf32, #tpu.memory_space<vmem_shared>>)
      tpu.yield
    }) : () -> ()
    "tpu.region"() ({
      %run_scoped3A = tpu.sem_alloc : memref<!tpu.dma_semaphore, #tpu.memory_space<semaphore_mem>>
      tpu.enqueue_dma source(%arg7 : memref<128xf32, #tpu.memory_space<hbm>>) target(%arg16 : memref<128xf32, #tpu.memory_space<vmem>>) target_semaphore(%run_scoped3A : memref<!tpu.dma_semaphore, #tpu.memory_space<semaphore_mem>>)
      tpu.wait_dma2 semaphore(%run_scoped3A : memref<!tpu.dma_semaphore, #tpu.memory_space<semaphore_mem>>) src(%arg7 : memref<128xf32, #tpu.memory_space<hbm>>) dst(%arg16 : memref<128xf32, #tpu.memory_space<vmem>>)
      tpu.yield
    }) : () -> ()
    %barrier3A = arith.constant 0 : index
    tpu.barrier barrier_id(%barrier3A)
    %add3A_7 = arith.constant 0 : i32
    %add3A_8 = arith.addi %mul3A_2, %add3A_7 : i32
    %dma_start3A = tpu.memref_slice %arg3[%add3A_8] : memref<327680xi32, #tpu.memory_space<hbm>> -> memref<128xi32, #tpu.memory_space<hbm>>
    %dma_start3A_9 = tpu.memref_slice %arg3[%add3A_8] : memref<327680xi32, #tpu.memory_space<hbm>> -> memref<128xi32, #tpu.memory_space<hbm>>
    tpu.enqueue_dma source(%dma_start3A_9 : memref<128xi32, #tpu.memory_space<hbm>>) target(%arg10 : memref<128xi32, #tpu.memory_space<vmem>>) target_semaphore(%arg19 : memref<!tpu.dma_semaphore, #tpu.memory_space<semaphore_mem>>)
    %dma_start3A_10 = tpu.memref_slice %arg4[%add3A_8] : memref<327680xi32, #tpu.memory_space<hbm>> -> memref<128xi32, #tpu.memory_space<hbm>>
    %dma_start3A_11 = tpu.memref_slice %arg4[%add3A_8] : memref<327680xi32, #tpu.memory_space<hbm>> -> memref<128xi32, #tpu.memory_space<hbm>>
    tpu.enqueue_dma source(%dma_start3A_11 : memref<128xi32, #tpu.memory_space<hbm>>) target(%arg12 : memref<128xi32, #tpu.memory_space<vmem>>) target_semaphore(%arg19 : memref<!tpu.dma_semaphore, #tpu.memory_space<semaphore_mem>>)
    %add3A_12 = arith.constant 128 : i32
    %add3A_13 = arith.addi %mul3A_2, %add3A_12 : i32
    %dma_start3A_14 = tpu.memref_slice %arg3[%add3A_13] : memref<327680xi32, #tpu.memory_space<hbm>> -> memref<128xi32, #tpu.memory_space<hbm>>
    %dma_start3A_15 = tpu.memref_slice %arg3[%add3A_13] : memref<327680xi32, #tpu.memory_space<hbm>> -> memref<128xi32, #tpu.memory_space<hbm>>
    tpu.enqueue_dma source(%dma_start3A_15 : memref<128xi32, #tpu.memory_space<hbm>>) target(%arg11 : memref<128xi32, #tpu.memory_space<vmem>>) target_semaphore(%arg20 : memref<!tpu.dma_semaphore, #tpu.memory_space<semaphore_mem>>)
    %dma_start3A_16 = tpu.memref_slice %arg4[%add3A_13] : memref<327680xi32, #tpu.memory_space<hbm>> -> memref<128xi32, #tpu.memory_space<hbm>>
    %dma_start3A_17 = tpu.memref_slice %arg4[%add3A_13] : memref<327680xi32, #tpu.memory_space<hbm>> -> memref<128xi32, #tpu.memory_space<hbm>>
    tpu.enqueue_dma source(%dma_start3A_17 : memref<128xi32, #tpu.memory_space<hbm>>) target(%arg13 : memref<128xi32, #tpu.memory_space<vmem>>) target_semaphore(%arg20 : memref<!tpu.dma_semaphore, #tpu.memory_space<semaphore_mem>>)
    %add3A_18 = arith.constant 0 : i32
    %add3A_19 = arith.addi %mul3A_2, %add3A_18 : i32
    %dma_wait3A = tpu.memref_slice %arg3[%add3A_19] : memref<327680xi32, #tpu.memory_space<hbm>> -> memref<128xi32, #tpu.memory_space<hbm>>
    %dma_wait3A_20 = tpu.memref_slice %arg3[%add3A_19] : memref<327680xi32, #tpu.memory_space<hbm>> -> memref<128xi32, #tpu.memory_space<hbm>>
    tpu.wait_dma2 semaphore(%arg19 : memref<!tpu.dma_semaphore, #tpu.memory_space<semaphore_mem>>) src(%dma_wait3A_20 : memref<128xi32, #tpu.memory_space<hbm>>) dst(%arg10 : memref<128xi32, #tpu.memory_space<vmem>>)
    %dma_wait3A_21 = tpu.memref_slice %arg4[%add3A_19] : memref<327680xi32, #tpu.memory_space<hbm>> -> memref<128xi32, #tpu.memory_space<hbm>>
    %dma_wait3A_22 = tpu.memref_slice %arg4[%add3A_19] : memref<327680xi32, #tpu.memory_space<hbm>> -> memref<128xi32, #tpu.memory_space<hbm>>
    tpu.wait_dma2 semaphore(%arg19 : memref<!tpu.dma_semaphore, #tpu.memory_space<semaphore_mem>>) src(%dma_wait3A_22 : memref<128xi32, #tpu.memory_space<hbm>>) dst(%arg12 : memref<128xi32, #tpu.memory_space<vmem>>)
    %dma_start3A_23 = arith.constant 0 : i32
    %dma_start3A_24 = arith.constant 0 : i32
    %dma_start3A_25 = tpu.memref_slice %arg2[%dma_start3A_23, %dma_start3A_24] : memref<10000x128xf32, #tpu.memory_space<hbm>> -> memref<10000x128xf32, #tpu.memory_space<hbm>>
    tpu.enqueue_indirect_dma source(%dma_start3A_25 : memref<10000x128xf32, #tpu.memory_space<hbm>>) target(%arg14 : memref<128x128xf32, #tpu.memory_space<vmem>>) offsets(%arg10 : memref<128xi32, #tpu.memory_space<vmem>>) semaphore(%arg21 : memref<!tpu.dma_semaphore, #tpu.memory_space<semaphore_mem>>)
    %scan3A = arith.constant 0 : i32
    %scan3A_26 = arith.constant 0 : i32
    %scan3A_27 = arith.constant 40 : i32
    %scan3A_28 = arith.addi %scan3A_26, %scan3A_27 : i32
    %scan3A_29 = arith.constant 1 : i32
    scf.for %scan3A_40 = %scan3A_26 to %scan3A_28 step %scan3A_29  : i32 {
      %mul3A_41 = arith.constant 2 : i32
      %mul3A_42 = arith.muli %mul3A_41, %scan3A_40 : i32
      %add3A_43 = arith.constant 1 : i32
      %add3A_44 = arith.addi %mul3A_42, %add3A_43 : i32
      %lt3A = arith.constant 80 : i32
      %lt3A_45 = arith.cmpi slt, %add3A_44, %lt3A : i32
      %convert_element_type3A = arith.extui %lt3A_45 : i1 to i32
      %cond3A = arith.constant 0 : i32
      %cond3A_46 = arith.cmpi ne, %convert_element_type3A, %cond3A : i32
      scf.if %cond3A_46 {
        %add3A_78 = arith.constant 1 : i32
        %add3A_79 = arith.addi %mul3A_42, %add3A_78 : i32
        %mul3A_80 = arith.constant 128 : i32
        %mul3A_81 = arith.muli %add3A_79, %mul3A_80 : i32
        %add3A_82 = arith.addi %mul3A_2, %mul3A_81 : i32
        %dma_wait3A_83 = tpu.memref_slice %arg3[%add3A_82] : memref<327680xi32, #tpu.memory_space<hbm>> -> memref<128xi32, #tpu.memory_space<hbm>>
        %dma_wait3A_84 = tpu.memref_slice %arg3[%add3A_82] : memref<327680xi32, #tpu.memory_space<hbm>> -> memref<128xi32, #tpu.memory_space<hbm>>
        tpu.wait_dma2 semaphore(%arg20 : memref<!tpu.dma_semaphore, #tpu.memory_space<semaphore_mem>>) src(%dma_wait3A_84 : memref<128xi32, #tpu.memory_space<hbm>>) dst(%arg11 : memref<128xi32, #tpu.memory_space<vmem>>)
        %dma_wait3A_85 = tpu.memref_slice %arg4[%add3A_82] : memref<327680xi32, #tpu.memory_space<hbm>> -> memref<128xi32, #tpu.memory_space<hbm>>
        %dma_wait3A_86 = tpu.memref_slice %arg4[%add3A_82] : memref<327680xi32, #tpu.memory_space<hbm>> -> memref<128xi32, #tpu.memory_space<hbm>>
        tpu.wait_dma2 semaphore(%arg20 : memref<!tpu.dma_semaphore, #tpu.memory_space<semaphore_mem>>) src(%dma_wait3A_86 : memref<128xi32, #tpu.memory_space<hbm>>) dst(%arg13 : memref<128xi32, #tpu.memory_space<vmem>>)
        %dma_start3A_87 = arith.constant 0 : i32
        %dma_start3A_88 = arith.constant 0 : i32
        %dma_start3A_89 = tpu.memref_slice %arg2[%dma_start3A_87, %dma_start3A_88] : memref<10000x128xf32, #tpu.memory_space<hbm>> -> memref<10000x128xf32, #tpu.memory_space<hbm>>
        tpu.enqueue_indirect_dma source(%dma_start3A_89 : memref<10000x128xf32, #tpu.memory_space<hbm>>) target(%arg15 : memref<128x128xf32, #tpu.memory_space<vmem>>) offsets(%arg11 : memref<128xi32, #tpu.memory_space<vmem>>) semaphore(%arg22 : memref<!tpu.dma_semaphore, #tpu.memory_space<semaphore_mem>>)
      } else {
      }
      %dma_wait3A_47 = arith.constant 0 : i32
      %dma_wait3A_48 = arith.constant 0 : i32
      %dma_wait3A_49 = tpu.memref_slice %arg2[%dma_wait3A_47, %dma_wait3A_48] : memref<10000x128xf32, #tpu.memory_space<hbm>> -> memref<10000x128xf32, #tpu.memory_space<hbm>>
      tpu.wait_indirect_dma semaphore(%arg21 : memref<!tpu.dma_semaphore, #tpu.memory_space<semaphore_mem>>) src(%dma_wait3A_49 : memref<10000x128xf32, #tpu.memory_space<hbm>>) dst(%arg14 : memref<128x128xf32, #tpu.memory_space<vmem>>)
      "tpu.region"() ({
        %run_scoped3A = tpu.sem_alloc : memref<!tpu.dma_semaphore, #tpu.memory_space<semaphore_mem>>
        %dma_start3A_78 = arith.constant 0 : i32
        %dma_start3A_79 = arith.constant 0 : i32
        %dma_start3A_80 = tpu.memref_slice %arg17[%dma_start3A_78, %dma_start3A_79] : memref<10240x128xf32, #tpu.memory_space<vmem_shared>> -> memref<10240x128xf32, #tpu.memory_space<vmem_shared>>
        tpu.enqueue_indirect_dma source(%arg14 : memref<128x128xf32, #tpu.memory_space<vmem>>) target(%dma_start3A_80 : memref<10240x128xf32, #tpu.memory_space<vmem_shared>>) offsets(%arg12 : memref<128xi32, #tpu.memory_space<vmem>>) semaphore(%run_scoped3A : memref<!tpu.dma_semaphore, #tpu.memory_space<semaphore_mem>>) {add = true}
        %dma_wait3A_81 = arith.constant 0 : i32
        %dma_wait3A_82 = arith.constant 0 : i32
        %dma_wait3A_83 = tpu.memref_slice %arg17[%dma_wait3A_81, %dma_wait3A_82] : memref<10240x128xf32, #tpu.memory_space<vmem_shared>> -> memref<10240x128xf32, #tpu.memory_space<vmem_shared>>
        tpu.wait_indirect_dma semaphore(%run_scoped3A : memref<!tpu.dma_semaphore, #tpu.memory_space<semaphore_mem>>) src(%arg14 : memref<128x128xf32, #tpu.memory_space<vmem>>) dst(%dma_wait3A_83 : memref<10240x128xf32, #tpu.memory_space<vmem_shared>>)
        tpu.yield
      }) : () -> ()
      "tpu.region"() ({
        %run_scoped3A = tpu.sem_alloc : memref<!tpu.dma_semaphore, #tpu.memory_space<semaphore_mem>>
        %dma_start3A_78 = arith.constant 0 : i32
        %dma_start3A_79 = tpu.memref_slice %arg18[%dma_start3A_78] : memref<10240xf32, #tpu.memory_space<vmem_shared>> -> memref<10240xf32, #tpu.memory_space<vmem_shared>>
        tpu.enqueue_indirect_dma source(%arg16 : memref<128xf32, #tpu.memory_space<vmem>>) target(%dma_start3A_79 : memref<10240xf32, #tpu.memory_space<vmem_shared>>) offsets(%arg12 : memref<128xi32, #tpu.memory_space<vmem>>) semaphore(%run_scoped3A : memref<!tpu.dma_semaphore, #tpu.memory_space<semaphore_mem>>) {add = true}
        %dma_wait3A_80 = arith.constant 0 : i32
        %dma_wait3A_81 = tpu.memref_slice %arg18[%dma_wait3A_80] : memref<10240xf32, #tpu.memory_space<vmem_shared>> -> memref<10240xf32, #tpu.memory_space<vmem_shared>>
        tpu.wait_indirect_dma semaphore(%run_scoped3A : memref<!tpu.dma_semaphore, #tpu.memory_space<semaphore_mem>>) src(%arg16 : memref<128xf32, #tpu.memory_space<vmem>>) dst(%dma_wait3A_81 : memref<10240xf32, #tpu.memory_space<vmem_shared>>)
        tpu.yield
      }) : () -> ()
      %add3A_50 = arith.constant 2 : i32
      %add3A_51 = arith.addi %mul3A_42, %add3A_50 : i32
      %lt3A_52 = arith.constant 80 : i32
      %lt3A_53 = arith.cmpi slt, %add3A_51, %lt3A_52 : i32
      %convert_element_type3A_54 = arith.extui %lt3A_53 : i1 to i32
      %cond3A_55 = arith.constant 0 : i32
      %cond3A_56 = arith.cmpi ne, %convert_element_type3A_54, %cond3A_55 : i32
      scf.if %cond3A_56 {
        %add3A_78 = arith.constant 2 : i32
        %add3A_79 = arith.addi %mul3A_42, %add3A_78 : i32
        %mul3A_80 = arith.constant 128 : i32
        %mul3A_81 = arith.muli %add3A_79, %mul3A_80 : i32
        %add3A_82 = arith.addi %mul3A_2, %mul3A_81 : i32
        %dma_start3A_83 = tpu.memref_slice %arg3[%add3A_82] : memref<327680xi32, #tpu.memory_space<hbm>> -> memref<128xi32, #tpu.memory_space<hbm>>
        %dma_start3A_84 = tpu.memref_slice %arg3[%add3A_82] : memref<327680xi32, #tpu.memory_space<hbm>> -> memref<128xi32, #tpu.memory_space<hbm>>
        tpu.enqueue_dma source(%dma_start3A_84 : memref<128xi32, #tpu.memory_space<hbm>>) target(%arg10 : memref<128xi32, #tpu.memory_space<vmem>>) target_semaphore(%arg19 : memref<!tpu.dma_semaphore, #tpu.memory_space<semaphore_mem>>)
        %dma_start3A_85 = tpu.memref_slice %arg4[%add3A_82] : memref<327680xi32, #tpu.memory_space<hbm>> -> memref<128xi32, #tpu.memory_space<hbm>>
        %dma_start3A_86 = tpu.memref_slice %arg4[%add3A_82] : memref<327680xi32, #tpu.memory_space<hbm>> -> memref<128xi32, #tpu.memory_space<hbm>>
        tpu.enqueue_dma source(%dma_start3A_86 : memref<128xi32, #tpu.memory_space<hbm>>) target(%arg12 : memref<128xi32, #tpu.memory_space<vmem>>) target_semaphore(%arg19 : memref<!tpu.dma_semaphore, #tpu.memory_space<semaphore_mem>>)
      } else {
      }
      %mul3A_57 = arith.constant 2 : i32
      %mul3A_58 = arith.muli %mul3A_57, %scan3A_40 : i32
      %add3A_59 = arith.constant 1 : i32
      %add3A_60 = arith.addi %mul3A_58, %add3A_59 : i32
      %add3A_61 = arith.constant 1 : i32
      %add3A_62 = arith.addi %add3A_60, %add3A_61 : i32
      %lt3A_63 = arith.constant 80 : i32
      %lt3A_64 = arith.cmpi slt, %add3A_62, %lt3A_63 : i32
      %convert_element_type3A_65 = arith.extui %lt3A_64 : i1 to i32
      %cond3A_66 = arith.constant 0 : i32
      %cond3A_67 = arith.cmpi ne, %convert_element_type3A_65, %cond3A_66 : i32
      scf.if %cond3A_67 {
        %add3A_78 = arith.constant 1 : i32
        %add3A_79 = arith.addi %add3A_60, %add3A_78 : i32
        %mul3A_80 = arith.constant 128 : i32
        %mul3A_81 = arith.muli %add3A_79, %mul3A_80 : i32
        %add3A_82 = arith.addi %mul3A_2, %mul3A_81 : i32
        %dma_wait3A_83 = tpu.memref_slice %arg3[%add3A_82] : memref<327680xi32, #tpu.memory_space<hbm>> -> memref<128xi32, #tpu.memory_space<hbm>>
        %dma_wait3A_84 = tpu.memref_slice %arg3[%add3A_82] : memref<327680xi32, #tpu.memory_space<hbm>> -> memref<128xi32, #tpu.memory_space<hbm>>
        tpu.wait_dma2 semaphore(%arg19 : memref<!tpu.dma_semaphore, #tpu.memory_space<semaphore_mem>>) src(%dma_wait3A_84 : memref<128xi32, #tpu.memory_space<hbm>>) dst(%arg10 : memref<128xi32, #tpu.memory_space<vmem>>)
        %dma_wait3A_85 = tpu.memref_slice %arg4[%add3A_82] : memref<327680xi32, #tpu.memory_space<hbm>> -> memref<128xi32, #tpu.memory_space<hbm>>
        %dma_wait3A_86 = tpu.memref_slice %arg4[%add3A_82] : memref<327680xi32, #tpu.memory_space<hbm>> -> memref<128xi32, #tpu.memory_space<hbm>>
        tpu.wait_dma2 semaphore(%arg19 : memref<!tpu.dma_semaphore, #tpu.memory_space<semaphore_mem>>) src(%dma_wait3A_86 : memref<128xi32, #tpu.memory_space<hbm>>) dst(%arg12 : memref<128xi32, #tpu.memory_space<vmem>>)
        %dma_start3A_87 = arith.constant 0 : i32
        %dma_start3A_88 = arith.constant 0 : i32
        %dma_start3A_89 = tpu.memref_slice %arg2[%dma_start3A_87, %dma_start3A_88] : memref<10000x128xf32, #tpu.memory_space<hbm>> -> memref<10000x128xf32, #tpu.memory_space<hbm>>
        tpu.enqueue_indirect_dma source(%dma_start3A_89 : memref<10000x128xf32, #tpu.memory_space<hbm>>) target(%arg14 : memref<128x128xf32, #tpu.memory_space<vmem>>) offsets(%arg10 : memref<128xi32, #tpu.memory_space<vmem>>) semaphore(%arg21 : memref<!tpu.dma_semaphore, #tpu.memory_space<semaphore_mem>>)
      } else {
      }
      %dma_wait3A_68 = arith.constant 0 : i32
      %dma_wait3A_69 = arith.constant 0 : i32
      %dma_wait3A_70 = tpu.memref_slice %arg2[%dma_wait3A_68, %dma_wait3A_69] : memref<10000x128xf32, #tpu.memory_space<hbm>> -> memref<10000x128xf32, #tpu.memory_space<hbm>>
      tpu.wait_indirect_dma semaphore(%arg22 : memref<!tpu.dma_semaphore, #tpu.memory_space<semaphore_mem>>) src(%dma_wait3A_70 : memref<10000x128xf32, #tpu.memory_space<hbm>>) dst(%arg15 : memref<128x128xf32, #tpu.memory_space<vmem>>)
      "tpu.region"() ({
        %run_scoped3A = tpu.sem_alloc : memref<!tpu.dma_semaphore, #tpu.memory_space<semaphore_mem>>
        %dma_start3A_78 = arith.constant 0 : i32
        %dma_start3A_79 = arith.constant 0 : i32
        %dma_start3A_80 = tpu.memref_slice %arg17[%dma_start3A_78, %dma_start3A_79] : memref<10240x128xf32, #tpu.memory_space<vmem_shared>> -> memref<10240x128xf32, #tpu.memory_space<vmem_shared>>
        tpu.enqueue_indirect_dma source(%arg15 : memref<128x128xf32, #tpu.memory_space<vmem>>) target(%dma_start3A_80 : memref<10240x128xf32, #tpu.memory_space<vmem_shared>>) offsets(%arg13 : memref<128xi32, #tpu.memory_space<vmem>>) semaphore(%run_scoped3A : memref<!tpu.dma_semaphore, #tpu.memory_space<semaphore_mem>>) {add = true}
        %dma_wait3A_81 = arith.constant 0 : i32
        %dma_wait3A_82 = arith.constant 0 : i32
        %dma_wait3A_83 = tpu.memref_slice %arg17[%dma_wait3A_81, %dma_wait3A_82] : memref<10240x128xf32, #tpu.memory_space<vmem_shared>> -> memref<10240x128xf32, #tpu.memory_space<vmem_shared>>
        tpu.wait_indirect_dma semaphore(%run_scoped3A : memref<!tpu.dma_semaphore, #tpu.memory_space<semaphore_mem>>) src(%arg15 : memref<128x128xf32, #tpu.memory_space<vmem>>) dst(%dma_wait3A_83 : memref<10240x128xf32, #tpu.memory_space<vmem_shared>>)
        tpu.yield
      }) : () -> ()
      "tpu.region"() ({
        %run_scoped3A = tpu.sem_alloc : memref<!tpu.dma_semaphore, #tpu.memory_space<semaphore_mem>>
        %dma_start3A_78 = arith.constant 0 : i32
        %dma_start3A_79 = tpu.memref_slice %arg18[%dma_start3A_78] : memref<10240xf32, #tpu.memory_space<vmem_shared>> -> memref<10240xf32, #tpu.memory_space<vmem_shared>>
        tpu.enqueue_indirect_dma source(%arg16 : memref<128xf32, #tpu.memory_space<vmem>>) target(%dma_start3A_79 : memref<10240xf32, #tpu.memory_space<vmem_shared>>) offsets(%arg13 : memref<128xi32, #tpu.memory_space<vmem>>) semaphore(%run_scoped3A : memref<!tpu.dma_semaphore, #tpu.memory_space<semaphore_mem>>) {add = true}
        %dma_wait3A_80 = arith.constant 0 : i32
        %dma_wait3A_81 = tpu.memref_slice %arg18[%dma_wait3A_80] : memref<10240xf32, #tpu.memory_space<vmem_shared>> -> memref<10240xf32, #tpu.memory_space<vmem_shared>>
        tpu.wait_indirect_dma semaphore(%run_scoped3A : memref<!tpu.dma_semaphore, #tpu.memory_space<semaphore_mem>>) src(%arg16 : memref<128xf32, #tpu.memory_space<vmem>>) dst(%dma_wait3A_81 : memref<10240xf32, #tpu.memory_space<vmem_shared>>)
        tpu.yield
      }) : () -> ()
      %add3A_71 = arith.constant 2 : i32
      %add3A_72 = arith.addi %add3A_60, %add3A_71 : i32
      %lt3A_73 = arith.constant 80 : i32
      %lt3A_74 = arith.cmpi slt, %add3A_72, %lt3A_73 : i32
      %convert_element_type3A_75 = arith.extui %lt3A_74 : i1 to i32
      %cond3A_76 = arith.constant 0 : i32
      %cond3A_77 = arith.cmpi ne, %convert_element_type3A_75, %cond3A_76 : i32
      scf.if %cond3A_77 {
        %add3A_78 = arith.constant 2 : i32
        %add3A_79 = arith.addi %add3A_60, %add3A_78 : i32
        %mul3A_80 = arith.constant 128 : i32
        %mul3A_81 = arith.muli %add3A_79, %mul3A_80 : i32
        %add3A_82 = arith.addi %mul3A_2, %mul3A_81 : i32
        %dma_start3A_83 = tpu.memref_slice %arg3[%add3A_82] : memref<327680xi32, #tpu.memory_space<hbm>> -> memref<128xi32, #tpu.memory_space<hbm>>
        %dma_start3A_84 = tpu.memref_slice %arg3[%add3A_82] : memref<327680xi32, #tpu.memory_space<hbm>> -> memref<128xi32, #tpu.memory_space<hbm>>
        tpu.enqueue_dma source(%dma_start3A_84 : memref<128xi32, #tpu.memory_space<hbm>>) target(%arg11 : memref<128xi32, #tpu.memory_space<vmem>>) target_semaphore(%arg20 : memref<!tpu.dma_semaphore, #tpu.memory_space<semaphore_mem>>)
        %dma_start3A_85 = tpu.memref_slice %arg4[%add3A_82] : memref<327680xi32, #tpu.memory_space<hbm>> -> memref<128xi32, #tpu.memory_space<hbm>>
        %dma_start3A_86 = tpu.memref_slice %arg4[%add3A_82] : memref<327680xi32, #tpu.memory_space<hbm>> -> memref<128xi32, #tpu.memory_space<hbm>>
        tpu.enqueue_dma source(%dma_start3A_86 : memref<128xi32, #tpu.memory_space<hbm>>) target(%arg13 : memref<128xi32, #tpu.memory_space<vmem>>) target_semaphore(%arg20 : memref<!tpu.dma_semaphore, #tpu.memory_space<semaphore_mem>>)
      } else {
      }
    }
    %scan3A_30 = arith.constant 40 : i32
    %barrier3A_31 = arith.constant 0 : index
    tpu.barrier barrier_id(%barrier3A_31)
    %mul3A_32 = arith.constant 640 : i32
    %mul3A_33 = arith.muli %arg1, %mul3A_32 : i32
    %mul3A_34 = arith.constant 640 : i32
    %mul3A_35 = arith.muli %arg1, %mul3A_34 : i32
    "tpu.region"() ({
      %run_scoped3A = tpu.sem_alloc : memref<!tpu.dma_semaphore, #tpu.memory_space<semaphore_mem>>
      %dma_start3A_40 = arith.constant 0 : i32
      %dma_start3A_41 = tpu.memref_slice %arg8[%arg0, %mul3A_35, %dma_start3A_40] : memref<2x10240x128xf32, #tpu.memory_space<hbm>> -> memref<1x640x128xf32, #tpu.memory_space<hbm>>
      %dma_start3A_42 = tpu.memref_squeeze %dma_start3A_41 : memref<1x640x128xf32, #tpu.memory_space<hbm>> -> memref<640x128xf32, #tpu.memory_space<hbm>>
      %dma_start3A_43 = arith.constant 0 : i32
      %dma_start3A_44 = tpu.memref_slice %arg17[%mul3A_33, %dma_start3A_43] : memref<10240x128xf32, #tpu.memory_space<vmem_shared>> -> memref<640x128xf32, #tpu.memory_space<vmem_shared>>
      tpu.enqueue_dma source(%dma_start3A_44 : memref<640x128xf32, #tpu.memory_space<vmem_shared>>) target(%dma_start3A_42 : memref<640x128xf32, #tpu.memory_space<hbm>>) target_semaphore(%run_scoped3A : memref<!tpu.dma_semaphore, #tpu.memory_space<semaphore_mem>>)
      %dma_wait3A_45 = arith.constant 0 : i32
      %dma_wait3A_46 = tpu.memref_slice %arg8[%arg0, %mul3A_35, %dma_wait3A_45] : memref<2x10240x128xf32, #tpu.memory_space<hbm>> -> memref<1x640x128xf32, #tpu.memory_space<hbm>>
      %dma_wait3A_47 = tpu.memref_squeeze %dma_wait3A_46 : memref<1x640x128xf32, #tpu.memory_space<hbm>> -> memref<640x128xf32, #tpu.memory_space<hbm>>
      %dma_wait3A_48 = arith.constant 0 : i32
      %dma_wait3A_49 = tpu.memref_slice %arg17[%mul3A_33, %dma_wait3A_48] : memref<10240x128xf32, #tpu.memory_space<vmem_shared>> -> memref<640x128xf32, #tpu.memory_space<vmem_shared>>
      tpu.wait_dma2 semaphore(%run_scoped3A : memref<!tpu.dma_semaphore, #tpu.memory_space<semaphore_mem>>) src(%dma_wait3A_49 : memref<640x128xf32, #tpu.memory_space<vmem_shared>>) dst(%dma_wait3A_47 : memref<640x128xf32, #tpu.memory_space<hbm>>)
      tpu.yield
    }) : () -> ()
    %mul3A_36 = arith.constant 640 : i32
    %mul3A_37 = arith.muli %arg1, %mul3A_36 : i32
    %mul3A_38 = arith.constant 640 : i32
    %mul3A_39 = arith.muli %arg1, %mul3A_38 : i32
    "tpu.region"() ({
      %run_scoped3A = tpu.sem_alloc : memref<!tpu.dma_semaphore, #tpu.memory_space<semaphore_mem>>
      %dma_start3A_40 = tpu.memref_slice %arg9[%arg0, %mul3A_39] : memref<2x10240xf32, #tpu.memory_space<hbm>> -> memref<1x640xf32, #tpu.memory_space<hbm>>
      %dma_start3A_41 = tpu.memref_squeeze %dma_start3A_40 : memref<1x640xf32, #tpu.memory_space<hbm>> -> memref<640xf32, #tpu.memory_space<hbm>>
      %dma_start3A_42 = tpu.memref_slice %arg18[%mul3A_37] : memref<10240xf32, #tpu.memory_space<vmem_shared>> -> memref<640xf32, #tpu.memory_space<vmem_shared>>
      tpu.enqueue_dma source(%dma_start3A_42 : memref<640xf32, #tpu.memory_space<vmem_shared>>) target(%dma_start3A_41 : memref<640xf32, #tpu.memory_space<hbm>>) target_semaphore(%run_scoped3A : memref<!tpu.dma_semaphore, #tpu.memory_space<semaphore_mem>>)
      %dma_wait3A_43 = tpu.memref_slice %arg9[%arg0, %mul3A_39] : memref<2x10240xf32, #tpu.memory_space<hbm>> -> memref<1x640xf32, #tpu.memory_space<hbm>>
      %dma_wait3A_44 = tpu.memref_squeeze %dma_wait3A_43 : memref<1x640xf32, #tpu.memory_space<hbm>> -> memref<640xf32, #tpu.memory_space<hbm>>
      %dma_wait3A_45 = tpu.memref_slice %arg18[%mul3A_37] : memref<10240xf32, #tpu.memory_space<vmem_shared>> -> memref<640xf32, #tpu.memory_space<vmem_shared>>
      tpu.wait_dma2 semaphore(%run_scoped3A : memref<!tpu.dma_semaphore, #tpu.memory_space<semaphore_mem>>) src(%dma_wait3A_45 : memref<640xf32, #tpu.memory_space<vmem_shared>>) dst(%dma_wait3A_44 : memref<640xf32, #tpu.memory_space<hbm>>)
      tpu.yield
    }) : () -> ()
    return
  }
}

module attributes {stable_mosaic.version = 14 : i64} {
  func.func @_tc_mlp_body(%arg0: i32, %arg1: memref<2000x128xf32, #tpu.memory_space<vmem>>, %arg2: memref<1x2000x128xf32, #tpu.memory_space<vmem>>, %arg3: memref<1x2000x128xf32, #tpu.memory_space<vmem>>, %arg4: memref<2000x1xf32, #tpu.memory_space<vmem>>, %arg5: memref<2000x1xf32, #tpu.memory_space<vmem>>, %arg6: memref<128x128xf32, #tpu.memory_space<vmem>>, %arg7: memref<1x128xf32, #tpu.memory_space<vmem>>, %arg8: memref<128x128xf32, #tpu.memory_space<vmem>>, %arg9: memref<1x128xf32, #tpu.memory_space<vmem>>, %arg10: memref<128x256xf32, #tpu.memory_space<vmem>>, %arg11: memref<1x256xf32, #tpu.memory_space<vmem>>, %arg12: memref<256x256xf32, #tpu.memory_space<vmem>>, %arg13: memref<1x256xf32, #tpu.memory_space<vmem>>, %arg14: memref<2000x128xf32, #tpu.memory_space<vmem>>, %arg15: memref<2000x128xf32, #tpu.memory_space<vmem>>, %arg16: memref<2000x128xf32, #tpu.memory_space<vmem>>) attributes {dimension_semantics = [#tpu.dimension_semantics<arbitrary>], iteration_bounds = array<i64: 5>, scalar_prefetch = 0 : i64, scratch_operands = 0 : i64, tpu.core_type = #tpu.core_type<tc>, window_params = [{transform_indices = @transform_0, window_bounds = array<i64: 2000, 128>}, {transform_indices = @transform_1, window_bounds = array<i64: 1, 2000, 128>}, {transform_indices = @transform_2, window_bounds = array<i64: 1, 2000, 128>}, {transform_indices = @transform_3, window_bounds = array<i64: 2000, 1>}, {transform_indices = @transform_4, window_bounds = array<i64: 2000, 1>}, {pipeline_mode = #tpu.pipeline_mode<synchronous>, transform_indices = @transform_5, window_bounds = array<i64: 128, 128>}, {pipeline_mode = #tpu.pipeline_mode<synchronous>, transform_indices = @transform_6, window_bounds = array<i64: 1, 128>}, {pipeline_mode = #tpu.pipeline_mode<synchronous>, transform_indices = @transform_7, window_bounds = array<i64: 128, 128>}, {pipeline_mode = #tpu.pipeline_mode<synchronous>, transform_indices = @transform_8, window_bounds = array<i64: 1, 128>}, {pipeline_mode = #tpu.pipeline_mode<synchronous>, transform_indices = @transform_9, window_bounds = array<i64: 128, 256>}, {pipeline_mode = #tpu.pipeline_mode<synchronous>, transform_indices = @transform_10, window_bounds = array<i64: 1, 256>}, {pipeline_mode = #tpu.pipeline_mode<synchronous>, transform_indices = @transform_11, window_bounds = array<i64: 256, 256>}, {pipeline_mode = #tpu.pipeline_mode<synchronous>, transform_indices = @transform_12, window_bounds = array<i64: 1, 256>}, {transform_indices = @transform_13, window_bounds = array<i64: 2000, 128>}, {transform_indices = @transform_14, window_bounds = array<i64: 2000, 128>}, {transform_indices = @transform_15, window_bounds = array<i64: 2000, 128>}]} {
    %get3A = arith.constant 0 : index
    %get3A_0 = arith.constant 0 : index
    %get3A_1 = arith.constant 0 : index
    %get3A_2 = vector.load %arg2[%get3A, %get3A_0, %get3A_1] : memref<1x2000x128xf32, #tpu.memory_space<vmem>>, vector<1x2000x128xf32>
    %get3A_3 = vector.shape_cast %get3A_2 : vector<1x2000x128xf32> to vector<2000x128xf32>
    %get3A_4 = arith.constant 0 : index
    %get3A_5 = arith.constant 0 : index
    %get3A_6 = arith.constant 0 : index
    %get3A_7 = vector.load %arg3[%get3A_4, %get3A_5, %get3A_6] : memref<1x2000x128xf32, #tpu.memory_space<vmem>>, vector<1x2000x128xf32>
    %get3A_8 = vector.shape_cast %get3A_7 : vector<1x2000x128xf32> to vector<2000x128xf32>
    %add3A = arith.addf %get3A_3, %get3A_8 : vector<2000x128xf32>
    %get3A_9 = arith.constant 0 : index
    %get3A_10 = arith.constant 0 : index
    %get3A_11 = vector.load %arg4[%get3A_9, %get3A_10] : memref<2000x1xf32, #tpu.memory_space<vmem>>, vector<2000x1xf32>
    %get3A_12 = arith.constant 0 : index
    %get3A_13 = arith.constant 0 : index
    %get3A_14 = vector.load %arg5[%get3A_12, %get3A_13] : memref<2000x1xf32, #tpu.memory_space<vmem>>, vector<2000x1xf32>
    %add3A_15 = arith.addf %get3A_11, %get3A_14 : vector<2000x1xf32>
    %get3A_16 = arith.constant 0 : index
    %get3A_17 = arith.constant 0 : index
    %get3A_18 = vector.load %arg1[%get3A_16, %get3A_17] : memref<2000x128xf32, #tpu.memory_space<vmem>>, vector<2000x128xf32>
    %max3A = arith.constant 1.000000e+00 : f32
    %max3A_19 = vector.broadcast %max3A : f32 to vector<2000x1xf32>
    %max3A_20 = arith.maximumf %add3A_15, %max3A_19 : vector<2000x1xf32>
    %div3A = vector.broadcast %max3A_20 : vector<2000x1xf32> to vector<2000x128xf32>
    %div3A_21 = arith.divf %add3A, %div3A : vector<2000x128xf32>
    %add3A_22 = arith.addf %get3A_18, %div3A_21 : vector<2000x128xf32>
    %get3A_23 = arith.constant 0 : index
    %get3A_24 = arith.constant 0 : index
    %get3A_25 = vector.load %arg6[%get3A_23, %get3A_24] : memref<128x128xf32, #tpu.memory_space<vmem>>, vector<128x128xf32>
    %dot_general3A = arith.constant dense<0.000000e+00> : vector<2000x128xf32>
    %dot_general3A_26 = tpu.matmul %add3A_22, %get3A_25, %dot_general3A {dimension_numbers = #tpu.dot_dimension_numbers<[1], [0], [0], [1], [0, 0, 1, 1], [], []>, transpose_lhs_hint = false} : vector<2000x128xf32>, vector<128x128xf32>, vector<2000x128xf32> -> vector<2000x128xf32>
    %get3A_27 = arith.constant 0 : index
    %get3A_28 = arith.constant 0 : index
    %get3A_29 = vector.load %arg7[%get3A_27, %get3A_28] : memref<1x128xf32, #tpu.memory_space<vmem>>, vector<1x128xf32>
    %add3A_30 = vector.broadcast %get3A_29 : vector<1x128xf32> to vector<2000x128xf32>
    %add3A_31 = arith.addf %dot_general3A_26, %add3A_30 : vector<2000x128xf32>
    %max3A_32 = arith.constant 0.000000e+00 : f32
    %max3A_33 = vector.broadcast %max3A_32 : f32 to vector<2000x128xf32>
    %max3A_34 = arith.maximumf %add3A_31, %max3A_33 : vector<2000x128xf32>
    %get3A_35 = arith.constant 0 : index
    %get3A_36 = arith.constant 0 : index
    %get3A_37 = vector.load %arg8[%get3A_35, %get3A_36] : memref<128x128xf32, #tpu.memory_space<vmem>>, vector<128x128xf32>
    %dot_general3A_38 = arith.constant dense<0.000000e+00> : vector<2000x128xf32>
    %dot_general3A_39 = tpu.matmul %max3A_34, %get3A_37, %dot_general3A_38 {dimension_numbers = #tpu.dot_dimension_numbers<[1], [0], [0], [1], [0, 0, 1, 1], [], []>, transpose_lhs_hint = false} : vector<2000x128xf32>, vector<128x128xf32>, vector<2000x128xf32> -> vector<2000x128xf32>
    %get3A_40 = arith.constant 0 : index
    %get3A_41 = arith.constant 0 : index
    %get3A_42 = vector.load %arg9[%get3A_40, %get3A_41] : memref<1x128xf32, #tpu.memory_space<vmem>>, vector<1x128xf32>
    %add3A_43 = vector.broadcast %get3A_42 : vector<1x128xf32> to vector<2000x128xf32>
    %add3A_44 = arith.addf %dot_general3A_39, %add3A_43 : vector<2000x128xf32>
    %swap3A = arith.constant 0 : index
    %swap3A_45 = arith.constant 0 : index
    %swap3A_46 = vector.load %arg14[%swap3A, %swap3A_45] : memref<2000x128xf32, #tpu.memory_space<vmem>>, vector<2000x128xf32>
    tpu.vector_store %arg14[%swap3A, %swap3A_45], %add3A_44 {strides = array<i32>} : memref<2000x128xf32, #tpu.memory_space<vmem>>, vector<2000x128xf32>,
    %get3A_47 = arith.constant 0 : index
    %get3A_48 = arith.constant 0 : index
    %get3A_49 = vector.load %arg10[%get3A_47, %get3A_48] : memref<128x256xf32, #tpu.memory_space<vmem>>, vector<128x256xf32>
    %dot_general3A_50 = arith.constant dense<0.000000e+00> : vector<2000x256xf32>
    %dot_general3A_51 = tpu.matmul %add3A_22, %get3A_49, %dot_general3A_50 {dimension_numbers = #tpu.dot_dimension_numbers<[1], [0], [0], [1], [0, 0, 1, 1], [], []>, transpose_lhs_hint = false} : vector<2000x128xf32>, vector<128x256xf32>, vector<2000x256xf32> -> vector<2000x256xf32>
    %get3A_52 = arith.constant 0 : index
    %get3A_53 = arith.constant 0 : index
    %get3A_54 = vector.load %arg11[%get3A_52, %get3A_53] : memref<1x256xf32, #tpu.memory_space<vmem>>, vector<1x256xf32>
    %add3A_55 = vector.broadcast %get3A_54 : vector<1x256xf32> to vector<2000x256xf32>
    %add3A_56 = arith.addf %dot_general3A_51, %add3A_55 : vector<2000x256xf32>
    %max3A_57 = arith.constant 0.000000e+00 : f32
    %max3A_58 = vector.broadcast %max3A_57 : f32 to vector<2000x256xf32>
    %max3A_59 = arith.maximumf %add3A_56, %max3A_58 : vector<2000x256xf32>
    %get3A_60 = arith.constant 0 : index
    %get3A_61 = arith.constant 0 : index
    %get3A_62 = vector.load %arg12[%get3A_60, %get3A_61] : memref<256x256xf32, #tpu.memory_space<vmem>>, vector<256x256xf32>
    %dot_general3A_63 = arith.constant dense<0.000000e+00> : vector<2000x256xf32>
    %dot_general3A_64 = tpu.matmul %max3A_59, %get3A_62, %dot_general3A_63 {dimension_numbers = #tpu.dot_dimension_numbers<[1], [0], [0], [1], [0, 0, 1, 1], [], []>, transpose_lhs_hint = false} : vector<2000x256xf32>, vector<256x256xf32>, vector<2000x256xf32> -> vector<2000x256xf32>
    %get3A_65 = arith.constant 0 : index
    %get3A_66 = arith.constant 0 : index
    %get3A_67 = vector.load %arg13[%get3A_65, %get3A_66] : memref<1x256xf32, #tpu.memory_space<vmem>>, vector<1x256xf32>
    %add3A_68 = vector.broadcast %get3A_67 : vector<1x256xf32> to vector<2000x256xf32>
    %add3A_69 = arith.addf %dot_general3A_64, %add3A_68 : vector<2000x256xf32>
    %reduce_max3A = arith.constant dense<0xFF800000> : vector<2000xf32>
    %reduce_max3A_70 = vector.multi_reduction <maximumf>, %add3A_69, %reduce_max3A [1] : vector<2000x256xf32> to vector<2000xf32>
    %broadcast_in_dim3A = vector.shape_cast %reduce_max3A_70 : vector<2000xf32> to vector<2000x1xf32>
    %sub3A = vector.broadcast %broadcast_in_dim3A : vector<2000x1xf32> to vector<2000x256xf32>
    %sub3A_71 = arith.subf %add3A_69, %sub3A : vector<2000x256xf32>
    %exp3A = math.exp %sub3A_71 : vector<2000x256xf32>
    %reduce_sum3A = arith.constant dense<0.000000e+00> : vector<2000xf32>
    %reduce_sum3A_72 = vector.multi_reduction <add>, %exp3A, %reduce_sum3A [1] : vector<2000x256xf32> to vector<2000xf32>
    %broadcast_in_dim3A_73 = vector.shape_cast %reduce_sum3A_72 : vector<2000xf32> to vector<2000x1xf32>
    %div3A_74 = vector.broadcast %broadcast_in_dim3A_73 : vector<2000x1xf32> to vector<2000x256xf32>
    %div3A_75 = arith.divf %exp3A, %div3A_74 : vector<2000x256xf32>
    %slice3A = vector.extract_strided_slice %div3A_75 {offsets = [0, 0], sizes = [2000, 128], strides = [1, 1]} : vector<2000x256xf32> to vector<2000x128xf32>
    %swap3A_76 = arith.constant 0 : index
    %swap3A_77 = arith.constant 0 : index
    %swap3A_78 = vector.load %arg15[%swap3A_76, %swap3A_77] : memref<2000x128xf32, #tpu.memory_space<vmem>>, vector<2000x128xf32>
    tpu.vector_store %arg15[%swap3A_76, %swap3A_77], %slice3A {strides = array<i32>} : memref<2000x128xf32, #tpu.memory_space<vmem>>, vector<2000x128xf32>,
    %slice3A_79 = vector.extract_strided_slice %div3A_75 {offsets = [0, 128], sizes = [2000, 128], strides = [1, 1]} : vector<2000x256xf32> to vector<2000x128xf32>
    %swap3A_80 = arith.constant 0 : index
    %swap3A_81 = arith.constant 0 : index
    %swap3A_82 = vector.load %arg16[%swap3A_80, %swap3A_81] : memref<2000x128xf32, #tpu.memory_space<vmem>>, vector<2000x128xf32>
    tpu.vector_store %arg16[%swap3A_80, %swap3A_81], %slice3A_79 {strides = array<i32>} : memref<2000x128xf32, #tpu.memory_space<vmem>>, vector<2000x128xf32>,
    return
  }
  func.func @transform_0(%arg0: i32) -> (i32, i32) {
    %c0_i32 = arith.constant 0 : i32
    %c0_i32_0 = arith.constant 0 : i32
    return %arg0, %c0_i32 : i32, i32
  }
  func.func @transform_1(%arg0: i32) -> (i32, i32, i32) {
    %c0_i32 = arith.constant 0 : i32
    %c0_i32_0 = arith.constant 0 : i32
    %c0_i32_1 = arith.constant 0 : i32
    return %c0_i32, %arg0, %c0_i32_0 : i32, i32, i32
  }
  func.func @transform_2(%arg0: i32) -> (i32, i32, i32) {
    %c1_i32 = arith.constant 1 : i32
    %c0_i32 = arith.constant 0 : i32
    %c0_i32_0 = arith.constant 0 : i32
    return %c1_i32, %arg0, %c0_i32 : i32, i32, i32
  }
  func.func @transform_3(%arg0: i32) -> (i32, i32) {
    %c0_i32 = arith.constant 0 : i32
    %c0_i32_0 = arith.constant 0 : i32
    return %arg0, %c0_i32 : i32, i32
  }
  func.func @transform_4(%arg0: i32) -> (i32, i32) {
    %c0_i32 = arith.constant 0 : i32
    %c0_i32_0 = arith.constant 0 : i32
    return %arg0, %c0_i32 : i32, i32
  }
  func.func @transform_5(%arg0: i32) -> (i32, i32) {
    %c0_i32 = arith.constant 0 : i32
    %c0_i32_0 = arith.constant 0 : i32
    %c0_i32_1 = arith.constant 0 : i32
    return %c0_i32, %c0_i32_0 : i32, i32
  }
  func.func @transform_6(%arg0: i32) -> (i32, i32) {
    %c0_i32 = arith.constant 0 : i32
    %c0_i32_0 = arith.constant 0 : i32
    %c0_i32_1 = arith.constant 0 : i32
    return %c0_i32, %c0_i32_0 : i32, i32
  }
  func.func @transform_7(%arg0: i32) -> (i32, i32) {
    %c0_i32 = arith.constant 0 : i32
    %c0_i32_0 = arith.constant 0 : i32
    %c0_i32_1 = arith.constant 0 : i32
    return %c0_i32, %c0_i32_0 : i32, i32
  }
  func.func @transform_8(%arg0: i32) -> (i32, i32) {
    %c0_i32 = arith.constant 0 : i32
    %c0_i32_0 = arith.constant 0 : i32
    %c0_i32_1 = arith.constant 0 : i32
    return %c0_i32, %c0_i32_0 : i32, i32
  }
  func.func @transform_9(%arg0: i32) -> (i32, i32) {
    %c0_i32 = arith.constant 0 : i32
    %c0_i32_0 = arith.constant 0 : i32
    %c0_i32_1 = arith.constant 0 : i32
    return %c0_i32, %c0_i32_0 : i32, i32
  }
  func.func @transform_10(%arg0: i32) -> (i32, i32) {
    %c0_i32 = arith.constant 0 : i32
    %c0_i32_0 = arith.constant 0 : i32
    %c0_i32_1 = arith.constant 0 : i32
    return %c0_i32, %c0_i32_0 : i32, i32
  }
  func.func @transform_11(%arg0: i32) -> (i32, i32) {
    %c0_i32 = arith.constant 0 : i32
    %c0_i32_0 = arith.constant 0 : i32
    %c0_i32_1 = arith.constant 0 : i32
    return %c0_i32, %c0_i32_0 : i32, i32
  }
  func.func @transform_12(%arg0: i32) -> (i32, i32) {
    %c0_i32 = arith.constant 0 : i32
    %c0_i32_0 = arith.constant 0 : i32
    %c0_i32_1 = arith.constant 0 : i32
    return %c0_i32, %c0_i32_0 : i32, i32
  }
  func.func @transform_13(%arg0: i32) -> (i32, i32) {
    %c0_i32 = arith.constant 0 : i32
    %c0_i32_0 = arith.constant 0 : i32
    return %arg0, %c0_i32 : i32, i32
  }
  func.func @transform_14(%arg0: i32) -> (i32, i32) {
    %c0_i32 = arith.constant 0 : i32
    %c0_i32_0 = arith.constant 0 : i32
    return %arg0, %c0_i32 : i32, i32
  }
  func.func @transform_15(%arg0: i32) -> (i32, i32) {
    %c0_i32 = arith.constant 0 : i32
    %c0_i32_0 = arith.constant 0 : i32
    return %arg0, %c0_i32 : i32, i32
  }
}

module attributes {stable_mosaic.version = 14 : i64} {
  func.func @_tc_pool_body(%arg0: i32, %arg1: memref<2000x128xf32, #tpu.memory_space<vmem>>, %arg2: memref<2000x128xf32, #tpu.memory_space<vmem>>, %arg3: memref<2000x128xf32, #tpu.memory_space<vmem>>, %arg4: memref<1x2000x128xf32, #tpu.memory_space<vmem>>, %arg5: memref<1x2000x128xf32, #tpu.memory_space<vmem>>, %arg6: memref<256x128xf32, #tpu.memory_space<vmem>>, %arg7: memref<256x256xf32, #tpu.memory_space<vmem>>) attributes {dimension_semantics = [#tpu.dimension_semantics<arbitrary>], iteration_bounds = array<i64: 5>, scalar_prefetch = 0 : i64, scratch_operands = 0 : i64, tpu.core_type = #tpu.core_type<tc>, window_params = [{transform_indices = @transform_0, window_bounds = array<i64: 2000, 128>}, {transform_indices = @transform_1, window_bounds = array<i64: 2000, 128>}, {transform_indices = @transform_2, window_bounds = array<i64: 2000, 128>}, {transform_indices = @transform_3, window_bounds = array<i64: 1, 2000, 128>}, {transform_indices = @transform_4, window_bounds = array<i64: 1, 2000, 128>}, {pipeline_mode = #tpu.pipeline_mode<synchronous>, transform_indices = @transform_5, window_bounds = array<i64: 256, 128>}, {pipeline_mode = #tpu.pipeline_mode<synchronous>, transform_indices = @transform_6, window_bounds = array<i64: 256, 256>}]} {
    %eq3A = arith.constant 0 : i32
    %eq3A_0 = arith.cmpi eq, %arg0, %eq3A : i32
    %convert_element_type3A = arith.extui %eq3A_0 : i1 to i32
    %cond3A = arith.constant 0 : i32
    %cond3A_1 = arith.cmpi ne, %convert_element_type3A, %cond3A : i32
    scf.if %cond3A_1 {
      %broadcast_in_dim3A = arith.constant 0.000000e+00 : f32
      %broadcast_in_dim3A_44 = vector.broadcast %broadcast_in_dim3A : f32 to vector<256x128xf32>
      %swap3A_45 = arith.constant 0 : index
      %swap3A_46 = arith.constant 0 : index
      %swap3A_47 = vector.load %arg6[%swap3A_45, %swap3A_46] : memref<256x128xf32, #tpu.memory_space<vmem>>, vector<256x128xf32>
      tpu.vector_store %arg6[%swap3A_45, %swap3A_46], %broadcast_in_dim3A_44 {strides = array<i32>} : memref<256x128xf32, #tpu.memory_space<vmem>>, vector<256x128xf32>,
      %broadcast_in_dim3A_48 = arith.constant 0.000000e+00 : f32
      %broadcast_in_dim3A_49 = vector.broadcast %broadcast_in_dim3A_48 : f32 to vector<256x256xf32>
      %swap3A_50 = arith.constant 0 : index
      %swap3A_51 = arith.constant 0 : index
      %swap3A_52 = vector.load %arg7[%swap3A_50, %swap3A_51] : memref<256x256xf32, #tpu.memory_space<vmem>>, vector<256x256xf32>
      tpu.vector_store %arg7[%swap3A_50, %swap3A_51], %broadcast_in_dim3A_49 {strides = array<i32>} : memref<256x256xf32, #tpu.memory_space<vmem>>, vector<256x256xf32>,
    } else {
    }
    %get3A = arith.constant 0 : index
    %get3A_2 = arith.constant 0 : index
    %get3A_3 = vector.load %arg1[%get3A, %get3A_2] : memref<2000x128xf32, #tpu.memory_space<vmem>>, vector<2000x128xf32>
    %get3A_4 = arith.constant 0 : index
    %get3A_5 = arith.constant 0 : index
    %get3A_6 = vector.load %arg2[%get3A_4, %get3A_5] : memref<2000x128xf32, #tpu.memory_space<vmem>>, vector<2000x128xf32>
    %concatenate3A = tpu.concatenate %get3A_3, %get3A_6 in 1 : vector<2000x128xf32>, vector<2000x128xf32> -> vector<2000x256xf32>
    %get3A_7 = arith.constant 0 : index
    %get3A_8 = arith.constant 0 : index
    %get3A_9 = vector.load %arg6[%get3A_7, %get3A_8] : memref<256x128xf32, #tpu.memory_space<vmem>>, vector<256x128xf32>
    %get3A_10 = arith.constant 0 : index
    %get3A_11 = arith.constant 0 : index
    %get3A_12 = vector.load %arg3[%get3A_10, %get3A_11] : memref<2000x128xf32, #tpu.memory_space<vmem>>, vector<2000x128xf32>
    %dot_general3A = arith.constant dense<0.000000e+00> : vector<256x128xf32>
    %dot_general3A_13 = tpu.matmul %concatenate3A, %get3A_12, %dot_general3A {dimension_numbers = #tpu.dot_dimension_numbers<[0], [0], [1], [1], [0, 1, 1, 1], [], []>, transpose_lhs_hint = false} : vector<2000x256xf32>, vector<2000x128xf32>, vector<256x128xf32> -> vector<256x128xf32>
    %add3A = arith.addf %get3A_9, %dot_general3A_13 : vector<256x128xf32>
    %swap3A = arith.constant 0 : index
    %swap3A_14 = arith.constant 0 : index
    %swap3A_15 = vector.load %arg6[%swap3A, %swap3A_14] : memref<256x128xf32, #tpu.memory_space<vmem>>, vector<256x128xf32>
    tpu.vector_store %arg6[%swap3A, %swap3A_14], %add3A {strides = array<i32>} : memref<256x128xf32, #tpu.memory_space<vmem>>, vector<256x128xf32>,
    %get3A_16 = arith.constant 0 : index
    %get3A_17 = arith.constant 0 : index
    %get3A_18 = vector.load %arg7[%get3A_16, %get3A_17] : memref<256x256xf32, #tpu.memory_space<vmem>>, vector<256x128xf32>
    %get3A_19 = arith.constant 0 : index
    %get3A_20 = arith.constant 0 : index
    %get3A_21 = arith.constant 0 : index
    %get3A_22 = vector.load %arg4[%get3A_19, %get3A_20, %get3A_21] : memref<1x2000x128xf32, #tpu.memory_space<vmem>>, vector<1x2000x128xf32>
    %get3A_23 = vector.shape_cast %get3A_22 : vector<1x2000x128xf32> to vector<2000x128xf32>
    %dot_general3A_24 = arith.constant dense<0.000000e+00> : vector<256x128xf32>
    %dot_general3A_25 = tpu.matmul %concatenate3A, %get3A_23, %dot_general3A_24 {dimension_numbers = #tpu.dot_dimension_numbers<[0], [0], [1], [1], [0, 1, 1, 1], [], []>, transpose_lhs_hint = false} : vector<2000x256xf32>, vector<2000x128xf32>, vector<256x128xf32> -> vector<256x128xf32>
    %add3A_26 = arith.addf %get3A_18, %dot_general3A_25 : vector<256x128xf32>
    %swap3A_27 = arith.constant 0 : index
    %swap3A_28 = arith.constant 0 : index
    %swap3A_29 = vector.load %arg7[%swap3A_27, %swap3A_28] : memref<256x256xf32, #tpu.memory_space<vmem>>, vector<256x128xf32>
    tpu.vector_store %arg7[%swap3A_27, %swap3A_28], %add3A_26 {strides = array<i32>} : memref<256x256xf32, #tpu.memory_space<vmem>>, vector<256x128xf32>,
    %get3A_30 = arith.constant 0 : index
    %get3A_31 = arith.constant 128 : index
    %get3A_32 = vector.load %arg7[%get3A_30, %get3A_31] : memref<256x256xf32, #tpu.memory_space<vmem>>, vector<256x128xf32>
    %get3A_33 = arith.constant 0 : index
    %get3A_34 = arith.constant 0 : index
    %get3A_35 = arith.constant 0 : index
    %get3A_36 = vector.load %arg5[%get3A_33, %get3A_34, %get3A_35] : memref<1x2000x128xf32, #tpu.memory_space<vmem>>, vector<1x2000x128xf32>
    %get3A_37 = vector.shape_cast %get3A_36 : vector<1x2000x128xf32> to vector<2000x128xf32>
    %dot_general3A_38 = arith.constant dense<0.000000e+00> : vector<256x128xf32>
    %dot_general3A_39 = tpu.matmul %concatenate3A, %get3A_37, %dot_general3A_38 {dimension_numbers = #tpu.dot_dimension_numbers<[0], [0], [1], [1], [0, 1, 1, 1], [], []>, transpose_lhs_hint = false} : vector<2000x256xf32>, vector<2000x128xf32>, vector<256x128xf32> -> vector<256x128xf32>
    %add3A_40 = arith.addf %get3A_32, %dot_general3A_39 : vector<256x128xf32>
    %swap3A_41 = arith.constant 0 : index
    %swap3A_42 = arith.constant 128 : index
    %swap3A_43 = vector.load %arg7[%swap3A_41, %swap3A_42] : memref<256x256xf32, #tpu.memory_space<vmem>>, vector<256x128xf32>
    tpu.vector_store %arg7[%swap3A_41, %swap3A_42], %add3A_40 {strides = array<i32>} : memref<256x256xf32, #tpu.memory_space<vmem>>, vector<256x128xf32>,
    return
  }
  func.func @transform_0(%arg0: i32) -> (i32, i32) {
    %c0_i32 = arith.constant 0 : i32
    %c0_i32_0 = arith.constant 0 : i32
    return %arg0, %c0_i32 : i32, i32
  }
  func.func @transform_1(%arg0: i32) -> (i32, i32) {
    %c0_i32 = arith.constant 0 : i32
    %c0_i32_0 = arith.constant 0 : i32
    return %arg0, %c0_i32 : i32, i32
  }
  func.func @transform_2(%arg0: i32) -> (i32, i32) {
    %c0_i32 = arith.constant 0 : i32
    %c0_i32_0 = arith.constant 0 : i32
    return %arg0, %c0_i32 : i32, i32
  }
  func.func @transform_3(%arg0: i32) -> (i32, i32, i32) {
    %c0_i32 = arith.constant 0 : i32
    %c0_i32_0 = arith.constant 0 : i32
    %c0_i32_1 = arith.constant 0 : i32
    return %c0_i32, %arg0, %c0_i32_0 : i32, i32, i32
  }
  func.func @transform_4(%arg0: i32) -> (i32, i32, i32) {
    %c1_i32 = arith.constant 1 : i32
    %c0_i32 = arith.constant 0 : i32
    %c0_i32_0 = arith.constant 0 : i32
    return %c1_i32, %arg0, %c0_i32 : i32, i32, i32
  }
  func.func @transform_5(%arg0: i32) -> (i32, i32) {
    %c0_i32 = arith.constant 0 : i32
    %c0_i32_0 = arith.constant 0 : i32
    %c0_i32_1 = arith.constant 0 : i32
    return %c0_i32, %c0_i32_0 : i32, i32
  }
  func.func @transform_6(%arg0: i32) -> (i32, i32) {
    %c0_i32 = arith.constant 0 : i32
    %c0_i32_0 = arith.constant 0 : i32
    %c0_i32_1 = arith.constant 0 : i32
    return %c0_i32, %c0_i32_0 : i32, i32
  }
}

</mosaic_0001>

<sc_bundles>
// kernel: kernel.6.cloned.1.call-start
scs
__scs_entry_jumppad:
0x0: {  	(pc) =	sbr.rel $0x88, $3  }
0x1: {  	(tag) =	ssettag $0x0;
	lr =	simm.s32 $0x1  }
0x2: {  	[smem:$0x3F97] =	sst lr;
	_ =	strace $0xD0000000  }
0x3: {  	_ = 	snop  }
0x4: {  	_ = 	snop  }
0x5: {  	_ = 	snop  }
0x6: {  	_ = 	snop  }
0x7: {  	_ = 	snop  }
__scs_overlays_trampoline_lowered:
0x8: {  	[smem:$0x3FA6] =	sst s0  }
0x9: {  	[smem:$0x3FA7] =	sst s1  }
0xa: {  	[smem:$0x3FA8] =	sst s2  }
0xb: {  	[smem:$0x3FA9] =	sst s3  }
0xc: {  	[smem:$0x3FAA] =	sst s4  }
0xd: {  	[smem:$0x3FAB] =	sst s5  }
0xe: {  	[smem:$0x3FAC] =	sst s6  }
0xf: {  	[smem:$0x3FAD] =	sst s7  }
0x10: {  	[smem:$0x3FAE] =	sst s8  }
0x11: {  	[smem:$0x3FAF] =	sst s9;
	s0 =	simm.s32 @!p0 $0x0  }
0x12: {  	s1 =	sld [smem:$0x3F95];
	s0 =	simm.s32 @p0 $0x1  }
0x13: {  	[smem:$0x3FB0] =	sst s0;
	s0 =	simm.s32 @!p1 $0x0  }
0x14: {  	s2 =	sld [smem:$0x3F94];
	s0 =	simm.s32 @p1 $0x1  }
0x15: {  	[smem:$0x3FB1] =	sst s0;
	s0 =	simm.s32 @!p2 $0x0  }
0x16: {  	s3 =	sld [smem:$0x3FDB];
	s0 =	simm.s32 @p2 $0x1  }
0x17: {  	s4 =	simm.s32 $0x1BF5;
	[smem:$0x3FB3] =	sst s0  }
0x18: {  	s0 =	sld [smem:$0x3F96];
	_ =	swait.ge [sflag:s4], $0x0  }
0x19: {  	s7 =	sld [smem:$0x3F97]  }
0x1a: {  	s8 =	sadd.s32 $0xFFFFE003, lr  }
0x1b: {  	s9 =	sadd.s32 $0xFFFFFEF7, lr;
	s5 =	simm.s32 $0xFFFFFFFF;
	p2 =	slt.u32 s8, $0xFFFFF086  }
0x1c: {  	p1 =	slt.u32 s9, $0xF7A;
	s5 =	simm.s32 @!p2 $0x0  }
0x1d: {  	s5 =	simm.s32 @p1 $0x1;
	p0 =	seq.s32 s7, s2  }
0x1e: {  	s7 =	smul.u32 @!p0 $0xF7A, s2;
	p2 =	seq.s32 @!p0 s5, $0x0  }
0x1f: {  	s9 =	smul.u32 $0xF7A, s1;
	s8 =	simm.s32 @!p0 $0x1BF5;
	p2 =	por !p2, p0  }
0x20: {  	[sflag:s8] =	ssyncset.s32 @!p0 $0xFFFFF086;
	s6 =	sadd.s32 @!p0 s3, s7;
	s7 =	simm.s32 @!p0 $0x108  }
0x21: {  	s3 =	sadd.s32 s3, s9;
	s6 =	sadd.s32 @!p0 $0x88, s6;
	s7 =	simm.s32 @p2 $0x1082  }
0x22: {  	[simem:s7], [sflag:s8] =	dma.local @!p0 [hbm:s6], $0xF7A  }
0x23: {  	s9 =	sor.u32 $0xD0000000, s2;
	s6 =	simm.s32 $0x108;
	_ =	swait.ge @!p0 [sflag:s8], $0x0  }
0x24: {  	s3 =	sadd.s32 $0x88, s3;
	s6 =	simm.s32 @!p1 $0x1082;
	[sflag:s4] =	ssyncset.s32 $0xFFFFF086  }
0x25: {  	[simem:s6], [sflag:s4] =	dma.local [hbm:s3], $0xF7A  }
0x26: {  	[smem:$0x3F97] =	sst s1;
	(tag) =	ssettag s2;
	_ =	strace s9  }
0x27: {  	s1 =	sld [smem:$0x3FA7]  }
0x28: {  	s2 =	sld [smem:$0x3FA8]  }
0x29: {  	s4 =	sld [smem:$0x3FAA]  }
0x2a: {  	p0 =	seq.s32 s5, $0x0;
	s5 =	sld [smem:$0x3FAB]  }
0x2b: {  	s6 =	sld [smem:$0x3FAC]  }
0x2c: {  	s7 =	sld [smem:$0x3FAD]  }
0x2d: {  	s3 =	simm.s32 $0x108;
	s8 =	sld [smem:$0x3FAE]  }
0x2e: {  	s3 =	simm.s32 @!p0 $0x1082;
	s9 =	sld [smem:$0x3FAF]  }
0x2f: {  	lr =	sadd.s32 s0, s3;
	s0 =	sld [smem:$0x3FA6]  }
0x30: {  	s3 =	sld [smem:$0x3FA9]  }
0x31: {  	[smem:$0x3FB2] =	sst s10  }
0x32: {  	s10 =	sld [smem:$0x3FB0];
	_ =	sdelay $0x3  }
0x33: {  	p0 =	seq.s32 s10, $0x1;
	s10 =	sld [smem:$0x3FB2];
	_ =	sdelay $0x3  }
0x34: {  	[smem:$0x3FB2] =	sst s10  }
0x35: {  	s10 =	sld [smem:$0x3FB1];
	_ =	sdelay $0x3  }
0x36: {  	p1 =	seq.s32 s10, $0x1;
	s10 =	sld [smem:$0x3FB2];
	_ =	sdelay $0x3  }
0x37: {  	[smem:$0x3FB2] =	sst s10  }
0x38: {  	s10 =	sld [smem:$0x3FB3]  }
0x39: {  	_ = 	snop;
	(pc) =	sbr.ind lr, $3  }
0x3a: {  	_ = 	snop  }
0x3b: {  	_ = 	snop  }
0x3c: {  	p2 =	seq.s32 s10, $0x1;
	s10 =	sld [smem:$0x3FB2]  }
0x3d: {  	_ =	shalt  }
0x3e: {  	_ =	shalt  }
0x3f: {  	_ =	shalt  }
0x40: {  	_ =	shalt  }
0x41: {  	_ =	shalt  }
0x42: {  	_ =	shalt  }
0x43: {  	_ =	shalt  }
0x44: {  	_ =	shalt  }
0x45: {  	_ =	shalt  }
0x46: {  	_ =	shalt  }
0x47: {  	_ =	shalt  }
0x48: {  	_ =	shalt  }
0x49: {  	_ =	shalt  }
0x4a: {  	_ =	shalt  }
0x4b: {  	_ =	shalt  }
0x4c: {  	_ =	shalt  }
0x4d: {  	_ =	shalt  }
0x4e: {  	_ =	shalt  }
0x4f: {  	_ =	shalt  }
0x50: {  	_ =	shalt  }
0x51: {  	_ =	shalt  }
0x52: {  	_ =	shalt  }
0x53: {  	_ =	shalt  }
0x54: {  	_ =	shalt  }
0x55: {  	_ =	shalt  }
0x56: {  	_ =	shalt  }
0x57: {  	_ =	shalt  }
0x58: {  	_ =	shalt  }
0x59: {  	_ =	shalt  }
0x5a: {  	_ =	shalt  }
0x5b: {  	_ =	shalt  }
0x5c: {  	_ =	shalt  }
0x5d: {  	_ =	shalt  }
0x5e: {  	_ =	shalt  }
0x5f: {  	_ =	shalt  }
0x60: {  	_ =	shalt  }
0x61: {  	_ =	shalt  }
0x62: {  	_ =	shalt  }
0x63: {  	_ =	shalt  }
0x64: {  	_ =	shalt  }
0x65: {  	_ =	shalt  }
0x66: {  	_ =	shalt  }
0x67: {  	_ =	shalt  }
0x68: {  	_ =	shalt  }
0x69: {  	_ =	shalt  }
0x6a: {  	_ =	shalt  }
0x6b: {  	_ =	shalt  }
0x6c: {  	_ =	shalt  }
0x6d: {  	_ =	shalt  }
0x6e: {  	_ =	shalt  }
0x6f: {  	_ =	shalt  }
0x70: {  	_ =	shalt  }
0x71: {  	_ =	shalt  }
0x72: {  	_ =	shalt  }
0x73: {  	_ =	shalt  }
0x74: {  	_ =	shalt  }
0x75: {  	_ =	shalt  }
0x76: {  	_ =	shalt  }
0x77: {  	_ =	shalt  }
0x78: {  	_ =	shalt  }
0x79: {  	_ =	shalt  }
0x7a: {  	_ =	shalt  }
0x7b: {  	_ =	shalt  }
0x7c: {  	_ =	shalt  }
0x7d: {  	_ =	shalt  }
0x7e: {  	_ =	shalt  }
0x7f: {  	_ =	shalt  }
0x80: {  	_ =	shalt  }
0x81: {  	_ =	shalt  }
0x82: {  	_ =	shalt  }
0x83: {  	_ =	shalt  }
0x84: {  	_ =	shalt  }
0x85: {  	_ =	shalt  }
0x86: {  	_ =	shalt  }
0x87: {  	_ =	shalt  }
.Lfunc_end0:
.L_simem_size_0:
called_computation_lowered:
.L_overlay_start_0:
0x88: {  	s2 =	sld [smem:$0x3FD9]  }
0x89: {  	s3 =	sld [smem:$0x3FFE];
	_ =	sdelay $0x1  }
0x8a: {  	s1 =	srdreg.scid  }
0x8b: {  	s0 =	sand.u32 $0x1, s1  }
0x8c: {  	s14 =	sshll.u32 s0, $0xA;
	s2 =	sadd.s32 s3, s2  }
0x8d: {  	s2 =	sadd.s32 s2, s14  }
0x8e: {  	[smem:$0x3FBE] =	sst s2  }
0x8f: {  	_ = 	snop  }
0x90: {  	s2 =	sld [smem:$0x3FD0];
	_ =	sdelay $0x2  }
0x91: {  	s4 =	simm.s32 $0xA;
	s5 =	simm.s32 $0x10;
	s15 =	sld [smem:$0x3FC9]  }
0x92: {  	[smem:s5], [sflag:s4] =	dma.local [hbm:s2], $0x1  }
0x93: {  	_ =	swait.eq [sflag:s4], $0x1  }
0x94: {  	[sflag:s4] =	ssyncset.done $0x0  }
0x95: {  	s16 =	sld [smem:$0x10];
	[sflag:s4] =	ssyncadd.s32 $0xFFFFFFFF  }
0x96: {  	s17 =	sld [smem:$0x11];
	(tm) =	ssettm $0x1  }
0x97: {  	s18 =	sld [smem:$0x3FFB];
	_ =	sdelay $0x3  }
0x98: {  	_ =	strace s18  }
0x99: {  	s5 =	sld [smem:$0x3FFC];
	_ =	sdelay $0x3  }
0x9a: {  	_ =	strace s5  }
0x9b: {  	s5 =	sld [smem:$0x3FFD];
	_ =	sdelay $0x3  }
0x9c: {  	_ =	strace s5  }
0x9d: {  	_ =	strace $0x8FFFFFFF  }
0x9e: {  	s19 =	sld [smem:$0x3FDB];
	_ =	sdelay $0x1  }
0x9f: {  	s6 =	simm.s32 $_scs_section_size  }
0xa0: {  	s7 =	simm.s32 $_size__tile_overlayer_lowered;
	s8 =	simm.s32 $_tile_overlayer_lowered  }
0xa1: {  	s22 =	simm.s32 $0x1BFF;
	s21 =	sshll.u32 s8, $0x1;
	s5 =	sadd.s32 s6, s19  }
0xa2: {  	s9 =	simm.s32 $0x0;
	s20 =	sshll.u32 s7, $0x1;
	s7 =	sadd.s32 s21, s5  }
0xa3: {  	[timem:s9], [sflag:s22] =	dma.local [hbm:s7], s20  }
0xa4: {  	_ =	swait.ge [sflag:s22], s20  }
0xa5: {  	s6 =	ssub.s32 $0x0, s20;
	[sflag:s22] =	ssyncset.done $0x0  }
0xa6: {  	[sflag:s22] =	ssyncadd.s32 s6;
	_ =	sdelay $0x1  }
0xa7: {  	s23 =	simm.s32 $0x1B8B  }
0xa8: {  	_ =	swait.ge [sflag:s23], $0x1  }
0xa9: {  	[sflag:s23] =	ssyncset.done $0x0  }
0xaa: {  	s25 =	simm.s32 $0x1B8E;
	s24 =	sld [smem:$0x3FFE];
	[sflag:s23] =	ssyncadd.s32 $0xFFFFFFFF  }
0xab: {  	s26 =	simm.s32 $execute0_lowered;
	[smem:$0x3FD2] =	sst s25  }
0xac: {  	s7 =	sshll.u32 s26, $0x1;
	_ =	strace $0x80000046;
	[dreg:$0x1] =	wrdreg $0xFFFFFFFF  }
0xad: {  	s28 =	simm.s32 $_size_execute0_lowered;
	s5 =	sadd.s32 s5, s7;
	[dreg:$0x0] =	wrdreg $0x0  }
0xae: {  	s7 =	sshll.u32 s28, $0x1;
	[dreg:$0x2] =	wrdreg s5  }
0xaf: {  	[dreg:$0x3] =	wrdreg s7  }
0xb0: {  	[dreg:$0x4] =	wrdreg $0xC0  }
0xb1: {  	_ =	task [dreg:s9], $0x5FFFF  }
0xb2: {  	[dreg:$0x1] =	wrdreg $0xFFFFFFFF  }
0xb3: {  	[dreg:$0x0] =	wrdreg $0x60  }
0xb4: {  	[dreg:$0x2] =	wrdreg s15  }
0xb5: {  	[dreg:$0x3] =	wrdreg s24  }
0xb6: {  	[dreg:$0x4] =	wrdreg s16  }
0xb7: {  	[dreg:$0x5] =	wrdreg s17  }
0xb8: {  	[dreg:$0x6] =	wrdreg $0x82800  }
0xb9: {  	[dreg:$0x7] =	wrdreg $0x1C2800  }
0xba: {  	[dreg:$0x8] =	wrdreg $0x9  }
0xbb: {  	_ =	task.clear_ibuf [dreg:s9], $0x9FFFF;
	_ =	strace $0x90000046  }
0xbc: {  	s29 =	simm.s32 $0x9;
	_ =	strace $0x80000048  }
0xbd: {  	_ =	swait.ge [sflag:s29], $0x1  }
0xbe: {  	[sflag:s29] =	ssyncadd.s32 $0xFFFFFFFF  }
0xbf: {  	_ =	strace $0x90000048  }
0xc0: {  	_ =	sfence  }
0xc1: {  	s30 =	sld [smem:$0x0];
	_ =	sdelay $0x2  }
0xc2: {  	s31 =	sshll.u32 s1, $0xD;
	s1 =	sshrl.u32 s1, $0x2  }
0xc3: {  	s3 =	sand.u32 $0x4000, s31;
	s1 =	sadd.s32 s1, s30  }
0xc4: {  	s0 =	sor.u32 s3, s0;
	s1 =	sshll.u32 s1, $0x11  }
0xc5: {  	s0 =	sor.u32 s1, s0  }
0xc6: {  	s0 =	sadd.s32 $0x8F2B, s0  }
0xc7: {  	[sflag:s0] =	ssyncadd.remote.s32 $0x1  }
0xc8: {  	_ =	sfence.sel $0xFFFF  }
0xc9: {  	[dreg:$0x0] =	wrdreg $0xFFFFFFFF;
	(pc) =	sbr.abs _section_cstart, $3  }
0xca: {  	[dreg:$0x1] =	wrdreg $0xFFFFFFFF  }
0xcb: {  	_ =	task.clear_ibuf [dreg:s9], $0x2FFFF;
	_ =	strace $0x9FFFFFFF  }
0xcc: {  	(tm) =	ssettm $0x7FFFFFFF  }
0xcd: {  	_ =	shalt  }
tec
execute0_lowered:
.L_overlay_start_1:
0x0: {  	(tag) =	ssettag $0x1  }
0x1: {  	s0 =	rddreg [dreg:$0x0]  }
0x2: {  	s1 =	rddreg [dreg:$0x1]  }
0x3: {  	s2 =	rddreg [dreg:$0x3]  }
0x4: {  	s4 =	rddreg [dreg:$0x4];
	s3 =	srdreg.scid  }
0x5: {  	s5 =	rddreg [dreg:$0x5];
	s14 =	stileid.u32  }
0x6: {  	s6 =	simm.s32 $0x0;
	s28 =	simm.s32 $0x180;
	s29 =	simm.s32 $0x1  }
0x7: {  	s30 =	simm.s32 $0x200;
	s31 =	simm.s32 $0x2;
	s3 =	sand.u32 $0x1, s3  }
0x8: {  	s8 =	smul.u32 $0x14000, s14;
	[smem:$0x7FF] =	sst s6;
	s9 =	sadd.s32 $0x3800, s1  }
0x9: {  	s10 =	sadd.s32 $0x17A00, s1;
	s12 =	sadd.s32 $0x17800, s1;
	s17 =	smul.u32 $0xA00, s14  }
0xa: {  	s21 =	smul.u32 $0x500, s14;
	_ =	strace $0x80000047;
	[dreg:$0x7] =	wrdreg s10  }
0xb: {  	s19 =	sshll.u32 s14, $0x6;
	s7 =	smul.u32 $0x140000, s3;
	[dreg:$0x8] =	wrdreg s12  }
0xc: {  	s13 =	ssub.s32 $0x2, s3;
	s11 =	sshll.u32 s3, $0x4;
	s12 =	smul.u32 $0x50000, s14  }
0xd: {  	s15 =	sshrl.u32 s13, $0x1;
	s16 =	sor.u32 s14, s11;
	s11 =	sshrl.u32 s17, $0x2  }
0xe: {  	s17 =	smul.u32 $0x28000, s3;
	s3 =	sshll.u32 s3, $0x7;
	s7 =	sadd.s32 s8, s7  }
0xf: {  	s8 =	sadd.s32 $0xD800, s1;
	s18 =	sshrl.u32 s12, $0x2;
	s11 =	sadd.s32 s11, s5  }
0x10: {  	s3 =	sor.u32 s3, s21;
	s7 =	sshrl.u32 s7, $0x3;
	s10 =	sadd.s32 s18, s4  }
0x11: {  	[dreg:$0xa] =	wrdreg s11;
	s18 =	smul.u32 $0x2800, s14;
	s23 =	sshrl.u32 s3, $0x3  }
0x12: {  	s3 =	simm.s32 $0x3;
	s1 =	sadd.s32 s7, s1;
	s7 =	ssub.s32 s13, s15  }
0x13: {  	s13 =	smul.u32 $0x2800, s16;
	[dreg:$0x9] =	wrdreg s10;
	s10 =	sor.u32 $0x1C05, s19  }
0x14: {  	s16 =	sadd.s32 $0x1A200, s1;
	s24 =	sadd.s32 s18, s17;
	s17 =	sadd.s32 s2, s23  }
0x15: {  	s18 =	smax.u32 s7, $0x1;
	s23 =	simm.s32 $0x5;
	s7 =	simm.s32 $0x0  }
0x16: {  	s20 =	sshrl.u32 s13, $0x3;
	s25 =	sor.u32 $0x180, s24;
	s26 =	sor.u32 $0x100, s24  }
0x17: {  	s24 =	simm.s32 $0x8200;
	s13 =	sadd.s32 s9, s20;
	s22 =	sadd.s32 s8, s20  }
0x18: {  	s11 =	sor.u32 $0x10, s20;
	s1 =	sshrl.u32 s25, $0x3;
	s2 =	sshrl.u32 s26, $0x3  }
0x19: {  	s25 =	simm.s32 $0x100;
	s26 =	simm.s32 $0x80;
	[dreg:$0xb] =	wrdreg s13  }
0x1a: {  	[dreg:$0xc] =	wrdreg s22;
	s14 =	sadd.s32 s9, s11;
	s15 =	sadd.s32 s8, s11  }
0x1b: {  	s19 =	sadd.s32 s1, s8;
	s20 =	sadd.s32 s1, s9;
	s21 =	sadd.s32 s2, s8  }
0x1c: {  	s22 =	sadd.s32 s2, s9;
	s2 =	simm.s32 $0x4200;
	s1 =	simm.s32 $0x4  }
.LBB2_1:
0x1d: {  	s8 =	rddreg [dreg:$0x9]  }
0x1e: {  	s9 =	rddreg [dreg:$0x7];
	s8 =	sshrl.u32 s8, $0x3  }
0x1f: {  	[spmem:s8], [sflag:s10] =	dma.local [hbm:s9], $0x2800  }
0x20: {  	_ =	swait.ge [sflag:s23], $0x2800  }
0x21: {  	[sflag:s23] =	ssyncset.done $0x0  }
0x22: {  	s11 =	rddreg [dreg:$0xa];
	[sflag:s23] =	ssyncadd.s32 $0xFFFFD800  }
0x23: {  	s9 =	sshrl.u32 s11, $0x3;
	s11 =	rddreg [dreg:$0x2]  }
0x24: {  	[spmem:s9], [sflag:s10] =	dma.local [hbm:s11], $0x50  }
0x25: {  	_ =	swait.ge [sflag:s23], $0x50  }
0x26: {  	[sflag:s23] =	ssyncset.done $0x0  }
0x27: {  	s12 =	rddreg [dreg:$0x8];
	[sflag:s23] =	ssyncadd.s32 $0xFFFFFFB0  }
0x28: {  	[tilespmem:s24], [sflag:$0x5] =	stream.linear.gather [hbm4b:s12+s6], $0x80, $0x38;
	[tilespmem:$0x1C500] =	vst v63  }
0x29: {  	_ =	swait.ge [sflag:s23], $0x80  }
0x2a: {  	[sflag:s23] =	ssyncset.done $0x0  }
0x2b: {  	[sflag:s23] =	ssyncadd.s32 $0xFFFFFF80  }
0x2c: {  	[bflag:$0x0] =	sbarrier.arrive $0xFFFF  }
0x2d: {  	s13 =	rddreg [dreg:$0xb]  }
0x2e: {  	[tilespmem:s6], [sflag:$0x1] =	stream.linear.gather [hbm4b:s13+s6], $0x80, $0x38;
	[tilespmem:$0x1C500] =	vst v63  }
0x2f: {  	s12 =	rddreg [dreg:$0xc]  }
0x30: {  	[tilespmem:s25], [sflag:$0x1] =	stream.linear.gather [hbm4b:s12+s6], $0x80, $0x38;
	[tilespmem:$0x1C500] =	vst v63  }
0x31: {  	_ = 	snop  }
0x32: {  	[tilespmem:s26], [sflag:$0x2] =	stream.linear.gather [hbm4b:s14+s6], $0x80, $0x38;
	[tilespmem:$0x1C500] =	vst v63  }
0x33: {  	_ = 	snop  }
0x34: {  	[tilespmem:s28], [sflag:$0x2] =	stream.linear.gather [hbm4b:s15+s6], $0x80, $0x38;
	[tilespmem:$0x1C500] =	vst v63  }
0x35: {  	_ =	swait.ge [sflag:s29], $0x80  }
0x36: {  	[sflag:s29] =	ssyncset.done $0x0  }
0x37: {  	[sflag:s29] =	ssyncadd.s32 $0xFFFFFF80  }
0x38: {  	_ =	swait.ge [sflag:s29], $0x80  }
0x39: {  	[sflag:s29] =	ssyncset.done $0x0  }
0x3a: {  	[sflag:s29] =	ssyncadd.s32 $0xFFFFFF80  }
0x3b: {  	[tilespmem:s30], [sflag:$0x3] =	stream.indirect.gather [hbm4b:s0+s26], $0x80, s6, s26, $0xb8;
	[tilespmem:$0x1C500] =	vst v63  }
0x3c: {  	_ =	swait.ge [sflag:s31], $0x80  }
0x3d: {  	[sflag:s31] =	ssyncset.done $0x0  }
0x3e: {  	[sflag:s31] =	ssyncadd.s32 $0xFFFFFF80  }
0x3f: {  	_ =	swait.ge [sflag:s31], $0x80  }
0x40: {  	[sflag:s31] =	ssyncset.done $0x0  }
0x41: {  	[sflag:s31] =	ssyncadd.s32 $0xFFFFFF80  }
0x42: {  	[tilespmem:s2], [sflag:$0x4] =	stream.indirect.gather [hbm4b:s0+s26], $0x80, s26, s26, $0xb8;
	[tilespmem:$0x1C500] =	vst v63  }
0x43: {  	_ =	swait.ge [sflag:s3], $0x4000  }
0x44: {  	[sflag:s3] =	ssyncset.done $0x0  }
0x45: {  	[sflag:s3] =	ssyncadd.s32 $0xFFFFC000  }
0x46: {  	[spmem:s4] =	stream.indirect.scatter.add.f32 [tilespmem:s30], [sflag:$0x5], $0x80, s25, s26, $0xb8;
	[tilespmem:$0x1C500] =	vst v63  }
0x47: {  	_ =	swait.ge [sflag:s23], $0x4000  }
0x48: {  	[sflag:s23] =	ssyncset.done $0x0  }
0x49: {  	[sflag:s23] =	ssyncadd.s32 $0xFFFFC000  }
0x4a: {  	[spmem:s5] =	stream.indirect.scatter.add.f32 [tilespmem:s24], [sflag:$0x5], $0x1, s25, s26, $0xb8;
	[tilespmem:$0x1C500] =	vst v63  }
0x4b: {  	_ =	swait.ge [sflag:s23], $0x80  }
0x4c: {  	[sflag:s23] =	ssyncset.done $0x0  }
0x4d: {  	s13 =	sadd.s32 $0x0, s22;
	[sflag:s23] =	ssyncadd.s32 $0xFFFFFF80  }
0x4e: {  	[tilespmem:s6], [sflag:$0x1] =	stream.linear.gather [hbm4b:s13+s6], $0x80, $0x38;
	[tilespmem:$0x1C500] =	vst v63  }
0x4f: {  	s12 =	sadd.s32 $0x0, s21  }
0x50: {  	[tilespmem:s25], [sflag:$0x1] =	stream.linear.gather [hbm4b:s12+s6], $0x80, $0x38;
	[tilespmem:$0x1C500] =	vst v63  }
0x51: {  	_ =	swait.ge [sflag:s29], $0x80  }
0x52: {  	[sflag:s29] =	ssyncset.done $0x0  }
0x53: {  	[sflag:s29] =	ssyncadd.s32 $0xFFFFFF80  }
0x54: {  	_ =	swait.ge [sflag:s29], $0x80  }
0x55: {  	[sflag:s29] =	ssyncset.done $0x0  }
0x56: {  	[sflag:s29] =	ssyncadd.s32 $0xFFFFFF80  }
0x57: {  	[tilespmem:s30], [sflag:$0x3] =	stream.indirect.gather [hbm4b:s0+s26], $0x80, s6, s26, $0xb8;
	[tilespmem:$0x1C500] =	vst v63  }
0x58: {  	_ =	swait.ge [sflag:s1], $0x4000  }
0x59: {  	[sflag:s1] =	ssyncset.done $0x0  }
0x5a: {  	[sflag:s1] =	ssyncadd.s32 $0xFFFFC000  }
0x5b: {  	[spmem:s4] =	stream.indirect.scatter.add.f32 [tilespmem:s2], [sflag:$0x5], $0x80, s28, s26, $0xb8;
	[tilespmem:$0x1C500] =	vst v63  }
0x5c: {  	_ =	swait.ge [sflag:s23], $0x4000  }
0x5d: {  	[sflag:s23] =	ssyncset.done $0x0  }
0x5e: {  	[sflag:s23] =	ssyncadd.s32 $0xFFFFC000  }
0x5f: {  	[spmem:s5] =	stream.indirect.scatter.add.f32 [tilespmem:s24], [sflag:$0x5], $0x1, s28, s26, $0xb8;
	[tilespmem:$0x1C500] =	vst v63  }
0x60: {  	_ =	swait.ge [sflag:s23], $0x80  }
0x61: {  	s11 =	simm.s32 $0x20;
	[sflag:s23] =	ssyncset.done $0x0  }
0x62: {  	s13 =	sadd.s32 $0x0, s20;
	s12 =	sadd.s32 $0x0, s19;
	[sflag:s23] =	ssyncadd.s32 $0xFFFFFF80  }
0x63: {  	[tilespmem:s26], [sflag:$0x2] =	stream.linear.gather [hbm4b:s13+s6], $0x80, $0x38;
	[tilespmem:$0x1C500] =	vst v63  }
.LBB2_2:
0x64: {  	[tilespmem:s28], [sflag:$0x2] =	stream.linear.gather [hbm4b:s12+s6], $0x80, $0x38;
	[tilespmem:$0x1C500] =	vst v63  }
0x65: {  	s12 =	smov.u32 s11  }
0x66: {  	p0 =	sne.s32 s11, $0x4C0;
	s11 =	sadd.s32 $0x20, s11;
	_ =	swait.ge [sflag:s31], $0x80  }
0x67: {  	[sflag:s31] =	ssyncset.done $0x0  }
0x68: {  	[sflag:s31] =	ssyncadd.s32 $0xFFFFFF80  }
0x69: {  	_ =	swait.ge [sflag:s31], $0x80  }
0x6a: {  	[sflag:s31] =	ssyncset.done $0x0  }
0x6b: {  	[sflag:s31] =	ssyncadd.s32 $0xFFFFFF80  }
0x6c: {  	[tilespmem:s2], [sflag:$0x4] =	stream.indirect.gather [hbm4b:s0+s26], $0x80, s26, s26, $0xb8;
	[tilespmem:$0x1C500] =	vst v63  }
0x6d: {  	_ =	swait.ge [sflag:s3], $0x4000  }
0x6e: {  	[sflag:s3] =	ssyncset.done $0x0  }
0x6f: {  	[sflag:s3] =	ssyncadd.s32 $0xFFFFC000  }
0x70: {  	[spmem:s4] =	stream.indirect.scatter.add.f32 [tilespmem:s30], [sflag:$0x5], $0x80, s25, s26, $0xb8;
	[tilespmem:$0x1C500] =	vst v63  }
0x71: {  	_ =	swait.ge [sflag:s23], $0x4000  }
0x72: {  	[sflag:s23] =	ssyncset.done $0x0  }
0x73: {  	[sflag:s23] =	ssyncadd.s32 $0xFFFFC000  }
0x74: {  	[spmem:s5] =	stream.indirect.scatter.add.f32 [tilespmem:s24], [sflag:$0x5], $0x1, s25, s26, $0xb8;
	[tilespmem:$0x1C500] =	vst v63  }
0x75: {  	_ =	swait.ge [sflag:s23], $0x80  }
0x76: {  	[sflag:s23] =	ssyncset.done $0x0  }
0x77: {  	s13 =	sadd.s32 s12, s22;
	[sflag:s23] =	ssyncadd.s32 $0xFFFFFF80  }
0x78: {  	[tilespmem:s6], [sflag:$0x1] =	stream.linear.gather [hbm4b:s13+s6], $0x80, $0x38;
	[tilespmem:$0x1C500] =	vst v63  }
0x79: {  	s13 =	sadd.s32 s12, s21  }
0x7a: {  	[tilespmem:s25], [sflag:$0x1] =	stream.linear.gather [hbm4b:s13+s6], $0x80, $0x38;
	[tilespmem:$0x1C500] =	vst v63  }
0x7b: {  	_ =	swait.ge [sflag:s29], $0x80  }
0x7c: {  	[sflag:s29] =	ssyncset.done $0x0  }
0x7d: {  	[sflag:s29] =	ssyncadd.s32 $0xFFFFFF80  }
0x7e: {  	_ =	swait.ge [sflag:s29], $0x80  }
0x7f: {  	[sflag:s29] =	ssyncset.done $0x0  }
0x80: {  	[sflag:s29] =	ssyncadd.s32 $0xFFFFFF80  }
0x81: {  	[tilespmem:s30], [sflag:$0x3] =	stream.indirect.gather [hbm4b:s0+s26], $0x80, s6, s26, $0xb8;
	[tilespmem:$0x1C500] =	vst v63  }
0x82: {  	_ =	swait.ge [sflag:s1], $0x4000  }
0x83: {  	[sflag:s1] =	ssyncset.done $0x0  }
0x84: {  	[sflag:s1] =	ssyncadd.s32 $0xFFFFC000  }
0x85: {  	[spmem:s4] =	stream.indirect.scatter.add.f32 [tilespmem:s2], [sflag:$0x5], $0x80, s28, s26, $0xb8;
	[tilespmem:$0x1C500] =	vst v63  }
0x86: {  	_ =	swait.ge [sflag:s23], $0x4000  }
0x87: {  	[sflag:s23] =	ssyncset.done $0x0  }
0x88: {  	[sflag:s23] =	ssyncadd.s32 $0xFFFFC000  }
0x89: {  	[spmem:s5] =	stream.indirect.scatter.add.f32 [tilespmem:s24], [sflag:$0x5], $0x1, s28, s26, $0xb8;
	[tilespmem:$0x1C500] =	vst v63  }
.Ltmp0:
0x8a: {  	_ =	swait.ge [sflag:s23], $0x80;
	(pc) =	sbr.rel @p0 .LBB2_2-.Ltmp0, $4  }
0x8b: {  	[sflag:s23] =	ssyncset.done $0x0  }
0x8c: {  	s13 =	sadd.s32 s12, s20;
	[sflag:s23] =	ssyncadd.s32 $0xFFFFFF80  }
0x8d: {  	[tilespmem:s26], [sflag:$0x2] =	stream.linear.gather [hbm4b:s13+s6], $0x80, $0x38;
	[tilespmem:$0x1C500] =	vst v63  }
0x8e: {  	s12 =	sadd.s32 s12, s19  }
0x8f: {  	[tilespmem:s28], [sflag:$0x2] =	stream.linear.gather [hbm4b:s12+s6], $0x80, $0x38;
	[tilespmem:$0x1C500] =	vst v63  }
0x90: {  	_ =	swait.ge [sflag:s31], $0x80  }
0x91: {  	[sflag:s31] =	ssyncset.done $0x0  }
0x92: {  	[sflag:s31] =	ssyncadd.s32 $0xFFFFFF80  }
0x93: {  	_ =	swait.ge [sflag:s31], $0x80  }
0x94: {  	[sflag:s31] =	ssyncset.done $0x0  }
0x95: {  	[sflag:s31] =	ssyncadd.s32 $0xFFFFFF80  }
0x96: {  	[tilespmem:s2], [sflag:$0x4] =	stream.indirect.gather [hbm4b:s0+s26], $0x80, s26, s26, $0xb8;
	[tilespmem:$0x1C500] =	vst v63  }
0x97: {  	_ =	swait.ge [sflag:s3], $0x4000  }
0x98: {  	[sflag:s3] =	ssyncset.done $0x0  }
0x99: {  	[sflag:s3] =	ssyncadd.s32 $0xFFFFC000  }
0x9a: {  	[spmem:s4] =	stream.indirect.scatter.add.f32 [tilespmem:s30], [sflag:$0x5], $0x80, s25, s26, $0xb8;
	[tilespmem:$0x1C500] =	vst v63  }
0x9b: {  	_ =	swait.ge [sflag:s23], $0x4000  }
0x9c: {  	[sflag:s23] =	ssyncset.done $0x0  }
0x9d: {  	[sflag:s23] =	ssyncadd.s32 $0xFFFFC000  }
0x9e: {  	[spmem:s5] =	stream.indirect.scatter.add.f32 [tilespmem:s24], [sflag:$0x5], $0x1, s25, s26, $0xb8;
	[tilespmem:$0x1C500] =	vst v63  }
0x9f: {  	_ =	swait.ge [sflag:s23], $0x80  }
0xa0: {  	[sflag:s23] =	ssyncset.done $0x0  }
0xa1: {  	[sflag:s23] =	ssyncadd.s32 $0xFFFFFF80  }
0xa2: {  	_ =	swait.ge [sflag:s1], $0x4000  }
0xa3: {  	[sflag:s1] =	ssyncset.done $0x0  }
0xa4: {  	[sflag:s1] =	ssyncadd.s32 $0xFFFFC000  }
0xa5: {  	[spmem:s4] =	stream.indirect.scatter.add.f32 [tilespmem:s2], [sflag:$0x5], $0x80, s28, s26, $0xb8;
	[tilespmem:$0x1C500] =	vst v63  }
0xa6: {  	_ =	swait.ge [sflag:s23], $0x4000  }
0xa7: {  	[sflag:s23] =	ssyncset.done $0x0  }
0xa8: {  	[sflag:s23] =	ssyncadd.s32 $0xFFFFC000  }
0xa9: {  	[spmem:s5] =	stream.indirect.scatter.add.f32 [tilespmem:s24], [sflag:$0x5], $0x1, s28, s26, $0xb8;
	[tilespmem:$0x1C500] =	vst v63  }
0xaa: {  	_ =	swait.ge [sflag:s23], $0x80  }
0xab: {  	[sflag:s23] =	ssyncset.done $0x0  }
0xac: {  	[sflag:s23] =	ssyncadd.s32 $0xFFFFFF80  }
0xad: {  	[bflag:$0x0] =	sbarrier.arrive $0xFFFF  }
0xae: {  	[hbm:s16], [sflag:s10] =	dma.local [spmem:s8], $0x2800  }
0xaf: {  	s7 =	sadd.s32 $0x1, s7;
	_ =	swait.ge [sflag:s23], $0x2800  }
0xb0: {  	s13 =	simm.s32 $0x20;
	p0 =	sne.s32 s7, s18;
	[sflag:s23] =	ssyncset.done $0x0  }
.Ltmp1:
0xb1: {  	s11 =	simm.s32 $0x10;
	[sflag:s23] =	ssyncadd.s32 $0xFFFFD800;
	(pc) =	sbr.rel @p0 .LBB2_1-.Ltmp1, $4  }
0xb2: {  	[hbm:s17@s13], [sflag:s10] =	dma.strided [spmem:s9@s11], $0x50, s29, $0x10   }
0xb3: {  	_ =	swait.ge [sflag:s23], $0x50  }
0xb4: {  	[sflag:s23] =	ssyncset.done $0x0  }
0xb5: {  	[sflag:s23] =	ssyncadd.s32 $0xFFFFFFB0  }
0xb6: {  	_ =	sfence.sel $0x180000  }
0xb7: {  	[bflag:$0x0] =	sbarrier.arrive $0xFFFF  }
0xb8: {  	_ =	strace $0x90000047  }
0xb9: {  	s0 =	stileid.u32;
	[bflag:$0x2] =	sbarrier.arrive $0xFFFF  }
0xba: {  	p0 =	sne.s32 s0, $0x0;
	s0 =	rddreg [dreg:$0x6]  }
0xbb: {  	s0 =	sadd.s32 @!p0 $0x100000, s0  }
0xbc: {  	[sflag:s0] =	ssyncadd.tile.s32 @!p0 $0x1;
	_ =	shalt  }
.Lfunc_end2:
_tile_overlayer_lowered:
.L_overlay_start_2:
0xbd: {  	(tag) =	ssettag $0x2  }
0xbe: {  	s0 =	rddreg [dreg:$0x0];
	s2 =	stileid.u32  }
0xbf: {  	s1 =	rddreg [dreg:$0x1];
	p0 =	sne.s32 s2, $0x0  }
0xc0: {  	s3 =	rddreg [dreg:$0x2];
	[bflag:$0x3] =	sbarrier.arrive $0xFFFF;
	s2 =	simm.s32 @!p0 $0x1C05  }
0xc1: {  	[timem:s3], [sflag:s2] =	dma.local @!p0 [hbm:s0], s1  }
0xc2: {  	s0 =	simm.s32 @!p0 $0x5  }
0xc3: {  	_ =	swait.ge @!p0 [sflag:s0], s1  }
0xc4: {  	s1 =	ssub.s32 @!p0 $0x0, s1;
	[sflag:s0] =	ssyncset.done @!p0 $0x0  }
0xc5: {  	[sflag:s0] =	ssyncadd.s32 @!p0 s1  }
0xc6: {  	[bflag:$0x3] =	sbarrier.arrive $0xFFFF  }
0xc7: {  	_ =	shalt  }

// kernel: kernel.9.cloned.1.call-start
scs
__scs_entry_jumppad:
0x0: {  	(pc) =	sbr.rel $0x88, $3  }
0x1: {  	(tag) =	ssettag $0x0;
	lr =	simm.s32 $0x1  }
0x2: {  	[smem:$0x3F97] =	sst lr;
	_ =	strace $0xD0000000  }
0x3: {  	_ = 	snop  }
0x4: {  	_ = 	snop  }
0x5: {  	_ = 	snop  }
0x6: {  	_ = 	snop  }
0x7: {  	_ = 	snop  }
__scs_overlays_trampoline_lowered:
0x8: {  	[smem:$0x3FA6] =	sst s0  }
0x9: {  	[smem:$0x3FA7] =	sst s1  }
0xa: {  	[smem:$0x3FA8] =	sst s2  }
0xb: {  	[smem:$0x3FA9] =	sst s3  }
0xc: {  	[smem:$0x3FAA] =	sst s4  }
0xd: {  	[smem:$0x3FAB] =	sst s5  }
0xe: {  	[smem:$0x3FAC] =	sst s6  }
0xf: {  	[smem:$0x3FAD] =	sst s7  }
0x10: {  	[smem:$0x3FAE] =	sst s8  }
0x11: {  	[smem:$0x3FAF] =	sst s9;
	s0 =	simm.s32 @!p0 $0x0  }
0x12: {  	s1 =	sld [smem:$0x3F95];
	s0 =	simm.s32 @p0 $0x1  }
0x13: {  	[smem:$0x3FB0] =	sst s0;
	s0 =	simm.s32 @!p1 $0x0  }
0x14: {  	s2 =	sld [smem:$0x3F94];
	s0 =	simm.s32 @p1 $0x1  }
0x15: {  	[smem:$0x3FB1] =	sst s0;
	s0 =	simm.s32 @!p2 $0x0  }
0x16: {  	s3 =	sld [smem:$0x3FDB];
	s0 =	simm.s32 @p2 $0x1  }
0x17: {  	s4 =	simm.s32 $0x1BF5;
	[smem:$0x3FB3] =	sst s0  }
0x18: {  	s0 =	sld [smem:$0x3F96];
	_ =	swait.ge [sflag:s4], $0x0  }
0x19: {  	s7 =	sld [smem:$0x3F97]  }
0x1a: {  	s8 =	sadd.s32 $0xFFFFE003, lr  }
0x1b: {  	s9 =	sadd.s32 $0xFFFFFEF7, lr;
	s5 =	simm.s32 $0xFFFFFFFF;
	p2 =	slt.u32 s8, $0xFFFFF086  }
0x1c: {  	p1 =	slt.u32 s9, $0xF7A;
	s5 =	simm.s32 @!p2 $0x0  }
0x1d: {  	s5 =	simm.s32 @p1 $0x1;
	p0 =	seq.s32 s7, s2  }
0x1e: {  	s7 =	smul.u32 @!p0 $0xF7A, s2;
	p2 =	seq.s32 @!p0 s5, $0x0  }
0x1f: {  	s9 =	smul.u32 $0xF7A, s1;
	s8 =	simm.s32 @!p0 $0x1BF5;
	p2 =	por !p2, p0  }
0x20: {  	[sflag:s8] =	ssyncset.s32 @!p0 $0xFFFFF086;
	s6 =	sadd.s32 @!p0 s3, s7;
	s7 =	simm.s32 @!p0 $0x108  }
0x21: {  	s3 =	sadd.s32 s3, s9;
	s6 =	sadd.s32 @!p0 $0x88, s6;
	s7 =	simm.s32 @p2 $0x1082  }
0x22: {  	[simem:s7], [sflag:s8] =	dma.local @!p0 [hbm:s6], $0xF7A  }
0x23: {  	s9 =	sor.u32 $0xD0000000, s2;
	s6 =	simm.s32 $0x108;
	_ =	swait.ge @!p0 [sflag:s8], $0x0  }
0x24: {  	s3 =	sadd.s32 $0x88, s3;
	s6 =	simm.s32 @!p1 $0x1082;
	[sflag:s4] =	ssyncset.s32 $0xFFFFF086  }
0x25: {  	[simem:s6], [sflag:s4] =	dma.local [hbm:s3], $0xF7A  }
0x26: {  	[smem:$0x3F97] =	sst s1;
	(tag) =	ssettag s2;
	_ =	strace s9  }
0x27: {  	s1 =	sld [smem:$0x3FA7]  }
0x28: {  	s2 =	sld [smem:$0x3FA8]  }
0x29: {  	s4 =	sld [smem:$0x3FAA]  }
0x2a: {  	p0 =	seq.s32 s5, $0x0;
	s5 =	sld [smem:$0x3FAB]  }
0x2b: {  	s6 =	sld [smem:$0x3FAC]  }
0x2c: {  	s7 =	sld [smem:$0x3FAD]  }
0x2d: {  	s3 =	simm.s32 $0x108;
	s8 =	sld [smem:$0x3FAE]  }
0x2e: {  	s3 =	simm.s32 @!p0 $0x1082;
	s9 =	sld [smem:$0x3FAF]  }
0x2f: {  	lr =	sadd.s32 s0, s3;
	s0 =	sld [smem:$0x3FA6]  }
0x30: {  	s3 =	sld [smem:$0x3FA9]  }
0x31: {  	[smem:$0x3FB2] =	sst s10  }
0x32: {  	s10 =	sld [smem:$0x3FB0];
	_ =	sdelay $0x3  }
0x33: {  	p0 =	seq.s32 s10, $0x1;
	s10 =	sld [smem:$0x3FB2];
	_ =	sdelay $0x3  }
0x34: {  	[smem:$0x3FB2] =	sst s10  }
0x35: {  	s10 =	sld [smem:$0x3FB1];
	_ =	sdelay $0x3  }
0x36: {  	p1 =	seq.s32 s10, $0x1;
	s10 =	sld [smem:$0x3FB2];
	_ =	sdelay $0x3  }
0x37: {  	[smem:$0x3FB2] =	sst s10  }
0x38: {  	s10 =	sld [smem:$0x3FB3]  }
0x39: {  	_ = 	snop;
	(pc) =	sbr.ind lr, $3  }
0x3a: {  	_ = 	snop  }
0x3b: {  	_ = 	snop  }
0x3c: {  	p2 =	seq.s32 s10, $0x1;
	s10 =	sld [smem:$0x3FB2]  }
0x3d: {  	_ =	shalt  }
0x3e: {  	_ =	shalt  }
0x3f: {  	_ =	shalt  }
0x40: {  	_ =	shalt  }
0x41: {  	_ =	shalt  }
0x42: {  	_ =	shalt  }
0x43: {  	_ =	shalt  }
0x44: {  	_ =	shalt  }
0x45: {  	_ =	shalt  }
0x46: {  	_ =	shalt  }
0x47: {  	_ =	shalt  }
0x48: {  	_ =	shalt  }
0x49: {  	_ =	shalt  }
0x4a: {  	_ =	shalt  }
0x4b: {  	_ =	shalt  }
0x4c: {  	_ =	shalt  }
0x4d: {  	_ =	shalt  }
0x4e: {  	_ =	shalt  }
0x4f: {  	_ =	shalt  }
0x50: {  	_ =	shalt  }
0x51: {  	_ =	shalt  }
0x52: {  	_ =	shalt  }
0x53: {  	_ =	shalt  }
0x54: {  	_ =	shalt  }
0x55: {  	_ =	shalt  }
0x56: {  	_ =	shalt  }
0x57: {  	_ =	shalt  }
0x58: {  	_ =	shalt  }
0x59: {  	_ =	shalt  }
0x5a: {  	_ =	shalt  }
0x5b: {  	_ =	shalt  }
0x5c: {  	_ =	shalt  }
0x5d: {  	_ =	shalt  }
0x5e: {  	_ =	shalt  }
0x5f: {  	_ =	shalt  }
0x60: {  	_ =	shalt  }
0x61: {  	_ =	shalt  }
0x62: {  	_ =	shalt  }
0x63: {  	_ =	shalt  }
0x64: {  	_ =	shalt  }
0x65: {  	_ =	shalt  }
0x66: {  	_ =	shalt  }
0x67: {  	_ =	shalt  }
0x68: {  	_ =	shalt  }
0x69: {  	_ =	shalt  }
0x6a: {  	_ =	shalt  }
0x6b: {  	_ =	shalt  }
0x6c: {  	_ =	shalt  }
0x6d: {  	_ =	shalt  }
0x6e: {  	_ =	shalt  }
0x6f: {  	_ =	shalt  }
0x70: {  	_ =	shalt  }
0x71: {  	_ =	shalt  }
0x72: {  	_ =	shalt  }
0x73: {  	_ =	shalt  }
0x74: {  	_ =	shalt  }
0x75: {  	_ =	shalt  }
0x76: {  	_ =	shalt  }
0x77: {  	_ =	shalt  }
0x78: {  	_ =	shalt  }
0x79: {  	_ =	shalt  }
0x7a: {  	_ =	shalt  }
0x7b: {  	_ =	shalt  }
0x7c: {  	_ =	shalt  }
0x7d: {  	_ =	shalt  }
0x7e: {  	_ =	shalt  }
0x7f: {  	_ =	shalt  }
0x80: {  	_ =	shalt  }
0x81: {  	_ =	shalt  }
0x82: {  	_ =	shalt  }
0x83: {  	_ =	shalt  }
0x84: {  	_ =	shalt  }
0x85: {  	_ =	shalt  }
0x86: {  	_ =	shalt  }
0x87: {  	_ =	shalt  }
.Lfunc_end0:
.L_simem_size_0:
called_computation.1_lowered:
.L_overlay_start_0:
0x88: {  	s2 =	sld [smem:$0x3FD9]  }
0x89: {  	s3 =	sld [smem:$0x3FFE];
	_ =	sdelay $0x1  }
0x8a: {  	s1 =	srdreg.scid  }
0x8b: {  	s0 =	sand.u32 $0x1, s1  }
0x8c: {  	s16 =	sshll.u32 s0, $0xA;
	s2 =	sadd.s32 s3, s2  }
0x8d: {  	s2 =	sadd.s32 s2, s16  }
0x8e: {  	[smem:$0x3FBE] =	sst s2  }
0x8f: {  	_ = 	snop  }
0x90: {  	(tm) =	ssettm $0x1  }
0x91: {  	s17 =	sld [smem:$0x3FFB];
	_ =	sdelay $0x3  }
0x92: {  	_ =	strace s17  }
0x93: {  	s2 =	sld [smem:$0x3FFC];
	_ =	sdelay $0x3  }
0x94: {  	_ =	strace s2  }
0x95: {  	s2 =	sld [smem:$0x3FFD];
	_ =	sdelay $0x3  }
0x96: {  	_ =	strace s2  }
0x97: {  	_ =	strace $0x8FFFFFFF  }
0x98: {  	s18 =	sld [smem:$0x3FDB];
	_ =	sdelay $0x1  }
0x99: {  	s19 =	simm.s32 $_scs_section_size  }
0x9a: {  	s4 =	simm.s32 $_size__tile_overlayer_lowered;
	s5 =	simm.s32 $_tile_overlayer_lowered  }
0x9b: {  	s22 =	simm.s32 $0x1BFF;
	s21 =	sshll.u32 s5, $0x1;
	s2 =	sadd.s32 s19, s18  }
0x9c: {  	s6 =	simm.s32 $0x0;
	s20 =	sshll.u32 s4, $0x1;
	s4 =	sadd.s32 s21, s2  }
0x9d: {  	[timem:s6], [sflag:s22] =	dma.local [hbm:s4], s20  }
0x9e: {  	_ =	swait.ge [sflag:s22], s20  }
0x9f: {  	s3 =	ssub.s32 $0x0, s20;
	[sflag:s22] =	ssyncset.done $0x0  }
0xa0: {  	[sflag:s22] =	ssyncadd.s32 s3;
	_ =	sdelay $0x1  }
0xa1: {  	s23 =	simm.s32 $0x1B8B  }
0xa2: {  	_ =	swait.ge [sflag:s23], $0x1  }
0xa3: {  	[sflag:s23] =	ssyncset.done $0x0  }
0xa4: {  	s25 =	simm.s32 $0x1B8E;
	s24 =	sld [smem:$0x3FFE];
	[sflag:s23] =	ssyncadd.s32 $0xFFFFFFFF  }
0xa5: {  	s26 =	simm.s32 $execute0_lowered;
	[smem:$0x3FD2] =	sst s25  }
0xa6: {  	s4 =	sshll.u32 s26, $0x1;
	_ =	strace $0x80000049;
	[dreg:$0x1] =	wrdreg $0xFFFFFFFF  }
0xa7: {  	s28 =	simm.s32 $_size_execute0_lowered;
	s2 =	sadd.s32 s2, s4;
	[dreg:$0x0] =	wrdreg $0x0  }
0xa8: {  	s4 =	sshll.u32 s28, $0x1;
	[dreg:$0x2] =	wrdreg s2  }
0xa9: {  	[dreg:$0x3] =	wrdreg s4  }
0xaa: {  	[dreg:$0x4] =	wrdreg $0xC0  }
0xab: {  	_ =	task [dreg:s6], $0x5FFFF  }
0xac: {  	[dreg:$0x1] =	wrdreg $0xFFFFFFFF  }
0xad: {  	[dreg:$0x0] =	wrdreg $0x60  }
0xae: {  	[dreg:$0x2] =	wrdreg s24  }
0xaf: {  	[dreg:$0x3] =	wrdreg $0x82000  }
0xb0: {  	[dreg:$0x4] =	wrdreg $0x9  }
0xb1: {  	_ =	task.clear_ibuf [dreg:s6], $0x5FFFF;
	_ =	strace $0x90000049  }
0xb2: {  	s29 =	simm.s32 $0x9;
	_ =	strace $0x8000004B  }
0xb3: {  	_ =	swait.ge [sflag:s29], $0x1  }
0xb4: {  	[sflag:s29] =	ssyncadd.s32 $0xFFFFFFFF  }
0xb5: {  	_ =	strace $0x9000004B  }
0xb6: {  	_ =	sfence  }
0xb7: {  	s30 =	sld [smem:$0x0];
	_ =	sdelay $0x2  }
0xb8: {  	s31 =	sshll.u32 s1, $0xD;
	s1 =	sshrl.u32 s1, $0x2  }
0xb9: {  	s3 =	sand.u32 $0x4000, s31;
	s1 =	sadd.s32 s1, s30  }
0xba: {  	s0 =	sor.u32 s3, s0;
	s1 =	sshll.u32 s1, $0x11  }
0xbb: {  	s0 =	sor.u32 s1, s0  }
0xbc: {  	s0 =	sadd.s32 $0x8F2B, s0  }
0xbd: {  	[sflag:s0] =	ssyncadd.remote.s32 $0x1  }
0xbe: {  	_ =	sfence.sel $0xFFFF  }
0xbf: {  	[dreg:$0x0] =	wrdreg $0xFFFFFFFF;
	(pc) =	sbr.abs _section_cstart, $3  }
0xc0: {  	[dreg:$0x1] =	wrdreg $0xFFFFFFFF  }
0xc1: {  	_ =	task.clear_ibuf [dreg:s6], $0x2FFFF;
	_ =	strace $0x9FFFFFFF  }
0xc2: {  	(tm) =	ssettm $0x7FFFFFFF  }
0xc3: {  	_ =	shalt  }
tec
execute0_lowered:
.L_overlay_start_1:
0x0: {  	(tag) =	ssettag $0x1  }
0x1: {  	s12 =	rddreg [dreg:$0x0]  }
0x2: {  	s1 =	rddreg [dreg:$0x1]  }
0x3: {  	s0 =	rddreg [dreg:$0x2];
	s3 =	simm.s32 $0x0;
	s2 =	srdreg.scid  }
0x4: {  	s17 =	simm.s32 $0x1A200;
	s19 =	simm.s32 $0x180;
	s20 =	simm.s32 $0x1  }
0x5: {  	s21 =	simm.s32 $0x200;
	s22 =	simm.s32 $0x2;
	s23 =	simm.s32 $0x4200  }
0x6: {  	s24 =	simm.s32 $0x3;
	s25 =	simm.s32 $0x4;
	s10 =	sand.u32 $0x1, s2  }
0x7: {  	s26 =	simm.s32 $0x0;
	s2 =	stileid.u32;
	s5 =	smul.u32 $0x140000, s10  }
0x8: {  	[smem:$0x7FF] =	sst s3;
	s14 =	sadd.s32 $0x3800, s12;
	s6 =	smul.u32 $0x14000, s2  }
0x9: {  	s13 =	sadd.s32 $0xD800, s12;
	s4 =	sadd.s32 $0x17A00, s12;
	s7 =	smul.u32 $0x50000, s2  }
0xa: {  	_ =	strace $0x8000004A;
	s28 =	ssub.s32 $0x2, s10;
	s9 =	smul.u32 $0x5000, s2  }
0xb: {  	s30 =	sshll.u32 s2, $0x6;
	p0 =	seq.s32 s10, $0x0;
	s18 =	smul.u32 $0xA00, s2  }
0xc: {  	s8 =	sshrl.u32 s28, $0x1;
	s17 =	simm.s32 @!p0 $0x41400;
	s5 =	sadd.s32 s6, s5  }
0xd: {  	s15 =	ssub.s32 s28, s8;
	s29 =	sshrl.u32 s7, $0x2;
	s31 =	sshrl.u32 s9, $0x3  }
0xe: {  	s5 =	sshrl.u32 s5, $0x3;
	s16 =	sadd.s32 s29, s1;
	s6 =	sadd.s32 s14, s31  }
0xf: {  	s9 =	sor.u32 $0x10, s31;
	s7 =	sadd.s32 s13, s31;
	s11 =	sadd.s32 s5, s12  }
0x10: {  	s5 =	sor.u32 $0x1C05, s30;
	s8 =	sadd.s32 s14, s9;
	s9 =	sadd.s32 s13, s9  }
0x11: {  	s12 =	sadd.s32 s17, s12;
	s13 =	sadd.s32 s18, s13;
	s14 =	sadd.s32 s18, s14  }
0x12: {  	s17 =	simm.s32 $0x100;
	s18 =	simm.s32 $0x80;
	s10 =	sadd.s32 $0x68600, s11  }
0x13: {  	s11 =	smax.u32 s15, $0x1;
	s15 =	sshrl.u32 s16, $0x3;
	s16 =	simm.s32 $0x5  }
.LBB2_1:
0x14: {  	[spmem:s15], [sflag:s5] =	dma.local [hbm:s4], $0x2800  }
0x15: {  	_ =	swait.ge [sflag:s16], $0x2800  }
0x16: {  	[sflag:s16] =	ssyncset.done $0x0  }
0x17: {  	[sflag:s16] =	ssyncadd.s32 $0xFFFFD800  }
0x18: {  	[bflag:$0x0] =	sbarrier.arrive $0xFFFF  }
0x19: {  	[tilespmem:s3], [sflag:$0x1] =	stream.linear.gather [hbm4b:s6+s3], $0x80, $0x38;
	[tilespmem:$0x1C200] =	vst v63  }
0x1a: {  	_ = 	snop  }
0x1b: {  	[tilespmem:s17], [sflag:$0x1] =	stream.linear.gather [hbm4b:s7+s3], $0x80, $0x38;
	[tilespmem:$0x1C200] =	vst v63  }
0x1c: {  	_ = 	snop  }
0x1d: {  	[tilespmem:s18], [sflag:$0x2] =	stream.linear.gather [hbm4b:s8+s3], $0x80, $0x38;
	[tilespmem:$0x1C200] =	vst v63  }
0x1e: {  	_ = 	snop  }
0x1f: {  	[tilespmem:s19], [sflag:$0x2] =	stream.linear.gather [hbm4b:s9+s3], $0x80, $0x38;
	[tilespmem:$0x1C200] =	vst v63  }
0x20: {  	_ =	swait.ge [sflag:s20], $0x80  }
0x21: {  	[sflag:s20] =	ssyncset.done $0x0  }
0x22: {  	[sflag:s20] =	ssyncadd.s32 $0xFFFFFF80  }
0x23: {  	_ =	swait.ge [sflag:s20], $0x80  }
0x24: {  	[sflag:s20] =	ssyncset.done $0x0  }
0x25: {  	[sflag:s20] =	ssyncadd.s32 $0xFFFFFF80  }
0x26: {  	[tilespmem:s21], [sflag:$0x3] =	stream.indirect.gather [hbm4b:s12+s18], $0x80, s3, s18, $0xb8;
	[tilespmem:$0x1C200] =	vst v63  }
0x27: {  	_ =	swait.ge [sflag:s22], $0x80  }
0x28: {  	[sflag:s22] =	ssyncset.done $0x0  }
0x29: {  	[sflag:s22] =	ssyncadd.s32 $0xFFFFFF80  }
0x2a: {  	_ =	swait.ge [sflag:s22], $0x80  }
0x2b: {  	[sflag:s22] =	ssyncset.done $0x0  }
0x2c: {  	[sflag:s22] =	ssyncadd.s32 $0xFFFFFF80  }
0x2d: {  	[tilespmem:s23], [sflag:$0x4] =	stream.indirect.gather [hbm4b:s12+s18], $0x80, s18, s18, $0xb8;
	[tilespmem:$0x1C200] =	vst v63  }
0x2e: {  	_ =	swait.ge [sflag:s24], $0x4000  }
0x2f: {  	[sflag:s24] =	ssyncset.done $0x0  }
0x30: {  	[sflag:s24] =	ssyncadd.s32 $0xFFFFC000  }
0x31: {  	[spmem:s1] =	stream.indirect.scatter.add.f32 [tilespmem:s21], [sflag:$0x5], $0x80, s17, s18, $0xb8;
	[tilespmem:$0x1C200] =	vst v63  }
0x32: {  	_ =	swait.ge [sflag:s16], $0x4000  }
0x33: {  	s28 =	sadd.s32 $0xFFFFF620, s14;
	[sflag:s16] =	ssyncset.done $0x0  }
0x34: {  	s30 =	sadd.s32 $0xFFFFF620, s13;
	s29 =	sadd.s32 $0xA00, s28;
	[sflag:s16] =	ssyncadd.s32 $0xFFFFC000  }
0x35: {  	[tilespmem:s3], [sflag:$0x1] =	stream.linear.gather [hbm4b:s29+s3], $0x80, $0x38;
	[tilespmem:$0x1C200] =	vst v63  }
0x36: {  	s29 =	sadd.s32 $0xA00, s30  }
0x37: {  	[tilespmem:s17], [sflag:$0x1] =	stream.linear.gather [hbm4b:s29+s3], $0x80, $0x38;
	[tilespmem:$0x1C200] =	vst v63  }
0x38: {  	_ =	swait.ge [sflag:s20], $0x80  }
0x39: {  	[sflag:s20] =	ssyncset.done $0x0  }
0x3a: {  	[sflag:s20] =	ssyncadd.s32 $0xFFFFFF80  }
0x3b: {  	_ =	swait.ge [sflag:s20], $0x80  }
0x3c: {  	[sflag:s20] =	ssyncset.done $0x0  }
0x3d: {  	[sflag:s20] =	ssyncadd.s32 $0xFFFFFF80  }
0x3e: {  	[tilespmem:s21], [sflag:$0x3] =	stream.indirect.gather [hbm4b:s12+s18], $0x80, s3, s18, $0xb8;
	[tilespmem:$0x1C200] =	vst v63  }
0x3f: {  	_ =	swait.ge [sflag:s25], $0x4000  }
0x40: {  	[sflag:s25] =	ssyncset.done $0x0  }
0x41: {  	[sflag:s25] =	ssyncadd.s32 $0xFFFFC000  }
0x42: {  	[spmem:s1] =	stream.indirect.scatter.add.f32 [tilespmem:s23], [sflag:$0x5], $0x80, s19, s18, $0xb8;
	[tilespmem:$0x1C200] =	vst v63  }
0x43: {  	_ =	swait.ge [sflag:s16], $0x4000  }
0x44: {  	[sflag:s16] =	ssyncset.done $0x0  }
0x45: {  	s28 =	sadd.s32 $0xA10, s28;
	[sflag:s16] =	ssyncadd.s32 $0xFFFFC000  }
0x46: {  	[tilespmem:s18], [sflag:$0x2] =	stream.linear.gather [hbm4b:s28+s3], $0x80, $0x38;
	[tilespmem:$0x1C200] =	vst v63  }
0x47: {  	s29 =	sadd.s32 $0xA10, s30;
	s28 =	simm.s32 $0xFFFFF640  }
.LBB2_2:
0x48: {  	[tilespmem:s19], [sflag:$0x2] =	stream.linear.gather [hbm4b:s29+s3], $0x80, $0x38;
	[tilespmem:$0x1C200] =	vst v63  }
0x49: {  	s29 =	smov.u32 s28  }
0x4a: {  	p0 =	sne.s32 s28, $0xFFFFFFE0;
	s28 =	sadd.s32 $0x20, s28;
	_ =	swait.ge [sflag:s22], $0x80  }
0x4b: {  	[sflag:s22] =	ssyncset.done $0x0  }
0x4c: {  	[sflag:s22] =	ssyncadd.s32 $0xFFFFFF80  }
0x4d: {  	_ =	swait.ge [sflag:s22], $0x80  }
0x4e: {  	[sflag:s22] =	ssyncset.done $0x0  }
0x4f: {  	[sflag:s22] =	ssyncadd.s32 $0xFFFFFF80  }
0x50: {  	[tilespmem:s23], [sflag:$0x4] =	stream.indirect.gather [hbm4b:s12+s18], $0x80, s18, s18, $0xb8;
	[tilespmem:$0x1C200] =	vst v63  }
0x51: {  	_ =	swait.ge [sflag:s24], $0x4000  }
0x52: {  	[sflag:s24] =	ssyncset.done $0x0  }
0x53: {  	[sflag:s24] =	ssyncadd.s32 $0xFFFFC000  }
0x54: {  	[spmem:s1] =	stream.indirect.scatter.add.f32 [tilespmem:s21], [sflag:$0x5], $0x80, s17, s18, $0xb8;
	[tilespmem:$0x1C200] =	vst v63  }
0x55: {  	_ =	swait.ge [sflag:s16], $0x4000  }
0x56: {  	s30 =	sadd.s32 s29, s14;
	[sflag:s16] =	ssyncset.done $0x0  }
0x57: {  	s29 =	sadd.s32 s29, s13;
	s31 =	sadd.s32 $0xA00, s30;
	[sflag:s16] =	ssyncadd.s32 $0xFFFFC000  }
0x58: {  	[tilespmem:s3], [sflag:$0x1] =	stream.linear.gather [hbm4b:s31+s3], $0x80, $0x38;
	[tilespmem:$0x1C200] =	vst v63  }
0x59: {  	s31 =	sadd.s32 $0xA00, s29  }
0x5a: {  	[tilespmem:s17], [sflag:$0x1] =	stream.linear.gather [hbm4b:s31+s3], $0x80, $0x38;
	[tilespmem:$0x1C200] =	vst v63  }
0x5b: {  	_ =	swait.ge [sflag:s20], $0x80  }
0x5c: {  	[sflag:s20] =	ssyncset.done $0x0  }
0x5d: {  	[sflag:s20] =	ssyncadd.s32 $0xFFFFFF80  }
0x5e: {  	_ =	swait.ge [sflag:s20], $0x80  }
0x5f: {  	[sflag:s20] =	ssyncset.done $0x0  }
0x60: {  	[sflag:s20] =	ssyncadd.s32 $0xFFFFFF80  }
0x61: {  	[tilespmem:s21], [sflag:$0x3] =	stream.indirect.gather [hbm4b:s12+s18], $0x80, s3, s18, $0xb8;
	[tilespmem:$0x1C200] =	vst v63  }
0x62: {  	_ =	swait.ge [sflag:s25], $0x4000  }
0x63: {  	[sflag:s25] =	ssyncset.done $0x0  }
0x64: {  	[sflag:s25] =	ssyncadd.s32 $0xFFFFC000  }
0x65: {  	[spmem:s1] =	stream.indirect.scatter.add.f32 [tilespmem:s23], [sflag:$0x5], $0x80, s19, s18, $0xb8;
	[tilespmem:$0x1C200] =	vst v63  }
.Ltmp0:
0x66: {  	_ =	swait.ge [sflag:s16], $0x4000;
	(pc) =	sbr.rel @p0 .LBB2_2-.Ltmp0, $4  }
0x67: {  	[sflag:s16] =	ssyncset.done $0x0  }
0x68: {  	s30 =	sadd.s32 $0xA10, s30;
	[sflag:s16] =	ssyncadd.s32 $0xFFFFC000  }
0x69: {  	[tilespmem:s18], [sflag:$0x2] =	stream.linear.gather [hbm4b:s30+s3], $0x80, $0x38;
	[tilespmem:$0x1C200] =	vst v63  }
0x6a: {  	s29 =	sadd.s32 $0xA10, s29  }
0x6b: {  	[tilespmem:s19], [sflag:$0x2] =	stream.linear.gather [hbm4b:s29+s3], $0x80, $0x38;
	[tilespmem:$0x1C200] =	vst v63  }
0x6c: {  	_ =	swait.ge [sflag:s22], $0x80  }
0x6d: {  	[sflag:s22] =	ssyncset.done $0x0  }
0x6e: {  	[sflag:s22] =	ssyncadd.s32 $0xFFFFFF80  }
0x6f: {  	_ =	swait.ge [sflag:s22], $0x80  }
0x70: {  	[sflag:s22] =	ssyncset.done $0x0  }
0x71: {  	[sflag:s22] =	ssyncadd.s32 $0xFFFFFF80  }
0x72: {  	[tilespmem:s23], [sflag:$0x4] =	stream.indirect.gather [hbm4b:s12+s18], $0x80, s18, s18, $0xb8;
	[tilespmem:$0x1C200] =	vst v63  }
0x73: {  	_ =	swait.ge [sflag:s24], $0x4000  }
0x74: {  	[sflag:s24] =	ssyncset.done $0x0  }
0x75: {  	[sflag:s24] =	ssyncadd.s32 $0xFFFFC000  }
0x76: {  	[spmem:s1] =	stream.indirect.scatter.add.f32 [tilespmem:s21], [sflag:$0x5], $0x80, s17, s18, $0xb8;
	[tilespmem:$0x1C200] =	vst v63  }
0x77: {  	_ =	swait.ge [sflag:s16], $0x4000  }
0x78: {  	[sflag:s16] =	ssyncset.done $0x0  }
0x79: {  	[sflag:s16] =	ssyncadd.s32 $0xFFFFC000  }
0x7a: {  	_ =	swait.ge [sflag:s25], $0x4000  }
0x7b: {  	[sflag:s25] =	ssyncset.done $0x0  }
0x7c: {  	[sflag:s25] =	ssyncadd.s32 $0xFFFFC000  }
0x7d: {  	[spmem:s1] =	stream.indirect.scatter.add.f32 [tilespmem:s23], [sflag:$0x5], $0x80, s19, s18, $0xb8;
	[tilespmem:$0x1C200] =	vst v63  }
0x7e: {  	_ =	swait.ge [sflag:s16], $0x4000  }
0x7f: {  	s26 =	sadd.s32 $0x1, s26;
	[sflag:s16] =	ssyncset.done $0x0  }
0x80: {  	p0 =	sne.s32 s26, s11;
	[sflag:s16] =	ssyncadd.s32 $0xFFFFC000  }
.Ltmp1:
0x81: {  	[bflag:$0x0] =	sbarrier.arrive $0xFFFF;
	(pc) =	sbr.rel @p0 .LBB2_1-.Ltmp1, $4  }
0x82: {  	[hbm:s10], [sflag:s5] =	dma.local [spmem:s15], $0x2800  }
0x83: {  	_ =	swait.ge [sflag:s16], $0x2800  }
0x84: {  	[sflag:s16] =	ssyncset.done $0x0  }
0x85: {  	[sflag:s16] =	ssyncadd.s32 $0xFFFFD800  }
0x86: {  	_ =	sfence.sel $0x180000  }
0x87: {  	[bflag:$0x0] =	sbarrier.arrive $0xFFFF  }
0x88: {  	p0 =	sne.s32 s2, $0x0;
	_ =	strace $0x9000004A  }
0x89: {  	s0 =	sadd.s32 @!p0 $0x100000, s0;
	[bflag:$0x2] =	sbarrier.arrive $0xFFFF  }
0x8a: {  	[sflag:s0] =	ssyncadd.tile.s32 @!p0 $0x1;
	_ =	shalt  }
.Lfunc_end2:
_tile_overlayer_lowered:
.L_overlay_start_2:
0x8b: {  	(tag) =	ssettag $0x2  }
0x8c: {  	s0 =	rddreg [dreg:$0x0];
	s2 =	stileid.u32  }
0x8d: {  	s1 =	rddreg [dreg:$0x1];
	p0 =	sne.s32 s2, $0x0  }
0x8e: {  	s3 =	rddreg [dreg:$0x2];
	[bflag:$0x3] =	sbarrier.arrive $0xFFFF;
	s2 =	simm.s32 @!p0 $0x1C05  }
0x8f: {  	[timem:s3], [sflag:s2] =	dma.local @!p0 [hbm:s0], s1  }
0x90: {  	s0 =	simm.s32 @!p0 $0x5  }
0x91: {  	_ =	swait.ge @!p0 [sflag:s0], s1  }
0x92: {  	s1 =	ssub.s32 @!p0 $0x0, s1;
	[sflag:s0] =	ssyncset.done @!p0 $0x0  }
0x93: {  	[sflag:s0] =	ssyncadd.s32 @!p0 s1  }
0x94: {  	[bflag:$0x3] =	sbarrier.arrive $0xFFFF  }
0x95: {  	_ =	shalt  }

</sc_bundles>
